<compile_context>
chip_gen: v7x
topology: tpu7x:2x2x1
jax: 0.10.2.dev20260603
libtpu: 0.0.44.dev20260713+nightly
codegen_flags: <defaults>
</compile_context>

<pallas_src>
import jax
import jax.numpy as jnp
from jax import lax
from jax.experimental import pallas as pl
from jax.experimental.pallas import tpu as pltpu
from jax.experimental.pallas import tpu_sc as plsc

B = 16384
D = 32
K = 20
NC, NS, L = 2, 16, 16
NW = NC * NS
BPW = B // NW
V = 1000000
WIN = 512
NFULL = 1953
HG = 64
NHG = BPW // HG


def _conv_body(out_t, emb_t, tail_o, tail_e, conv_o, conv_e,
               winA, winB, tpA, tpB,
               semIA, semIB, semOA, semOB):
    wid = lax.axis_index("s") * NC + lax.axis_index("c")
    iota = lax.iota(jnp.int32, L)
    iota32 = iota * D
    for (src, tail16, conv) in ((out_t, tail_o, conv_o),
                                (emb_t, tail_e, conv_e)):
        _one_table(src, tail16, conv, wid, iota32,
                   winA, winB, tpA, tpB, semIA, semIB, semOA, semOB)


def _one_table(out_t, tail16, conv, wid, iota32,
               winA, winB, tpA, tpB, semIA, semIB, semOA, semOB):

    def fire_in(t, buf, sem):
        for dt in range(4):
            pltpu.async_copy(out_t.at[pl.ds(dt * 8, 8), pl.ds(t * WIN, WIN)],
                             buf.at[pl.ds(dt * 8, 8), pl.ds(0, WIN)], sem)

    def drain_in(buf, sem):
        for dt in range(4):
            pltpu.make_async_copy(
                out_t.at[pl.ds(0, 8), pl.ds(0, WIN)],
                buf.at[pl.ds(dt * 8, 8), pl.ds(0, WIN)], sem).wait()

    def transpose(buf, tp):
        iota_l = lax.iota(jnp.int32, L)

        def kstep(kk, _):
            for u in range(8):
                k = kk * 8 + u
                g0 = plsc.load_gather(buf, [iota_l, jnp.full((L,), k,
                                                            jnp.int32)])
                g1 = plsc.load_gather(buf, [iota_l + L, jnp.full((L,), k,
                                                                jnp.int32)])
                tp[pl.ds(k * D, L)] = g0
                tp[pl.ds(k * D + L, L)] = g1
            return _
        lax.fori_loop(0, WIN // 8, kstep, 0)

    def fire_out(t, tp, sem):
        pltpu.async_copy(tp, conv.at[pl.ds(t * (WIN * D), WIN * D)], sem)

    def drain_out(tp, sem):
        pltpu.make_async_copy(conv.at[pl.ds(0, WIN * D)], tp, sem).wait()

    def tA(jj):
        return wid + 32 * (2 * jj)

    def tB(jj):
        return wid + 32 * (2 * jj + 1)

    fire_in(tA(0), winA, semIA)
    fire_in(tB(0), winB, semIB)

    def step(jj, cr):
        validB = jnp.logical_or(jj < 30, wid == 0)

        drain_in(winA, semIA)

        @pl.when(jj > 0)
        def _():
            drain_out(tpA, semOA)
        transpose(winA, tpA)
        fire_out(tA(jj), tpA, semOA)

        @pl.when(jj < 30)
        def _():
            fire_in(tA(jj + 1), winA, semIA)

        @pl.when(validB)
        def _():
            drain_in(winB, semIB)

            @pl.when(jj > 0)
            def _():
                drain_out(tpB, semOB)
            transpose(winB, tpB)
            fire_out(tB(jj), tpB, semOB)

        @pl.when(jnp.logical_or(jj < 29,
                                jnp.logical_and(jj == 29, wid == 0)))
        def _():
            fire_in(tB(jj + 1), winB, semIB)
        return cr
    lax.fori_loop(0, 31, step, 0)

    drain_out(tpA, semOA)

    @pl.when(wid == 0)
    def _():
        drain_out(tpB, semOB)

    @pl.when(wid == 0)
    def _():
        def trow(r, cr2):
            pltpu.sync_copy(tail16.at[r],
                            conv.at[pl.ds(NFULL * WIN * D + r * 128, 128)])
            return cr2
        lax.fori_loop(0, 16, trow, 0)


def _convert(out_t, emb_t, tail_o, tail_e):
    mesh = plsc.VectorSubcoreMesh(core_axis_name="c", subcore_axis_name="s")
    f = pl.kernel(
        _conv_body,
        out_type=[
            jax.ShapeDtypeStruct((V * D,), jnp.float32),
            jax.ShapeDtypeStruct((V * D,), jnp.float32),
        ],
        mesh=mesh,
        scratch_types=[
            pltpu.VMEM((D, WIN + 8), jnp.float32),
            pltpu.VMEM((D, WIN + 8), jnp.float32),
            pltpu.VMEM((WIN * D,), jnp.float32),
            pltpu.VMEM((WIN * D,), jnp.float32),
            pltpu.SemaphoreType.DMA,
            pltpu.SemaphoreType.DMA,
            pltpu.SemaphoreType.DMA,
            pltpu.SemaphoreType.DMA,
        ],
        compiler_params=pltpu.CompilerParams(needs_layout_passes=False,
                                             use_tc_tiling_on_sc=True),
    )
    return f(out_t, emb_t, tail_o, tail_e)



def _tc_t_body(x_ref, y_ref, o_ref, p_ref):
    x = x_ref[...]
    y = y_ref[...]
    r = lax.broadcasted_iota(jnp.int32, (4 * D, WIN), 0)
    kk = lax.broadcasted_iota(jnp.int32, (4 * D, WIN), 1)
    d1 = lax.broadcasted_iota(jnp.int32, (D, 4 * D), 0)
    c1 = lax.broadcasted_iota(jnp.int32, (D, 4 * D), 1)
    acc_o = jnp.zeros((4 * D, 4 * D), jnp.float32)
    acc_p = jnp.zeros((4 * D, 4 * D), jnp.float32)
    for q in range(4):
        S = (kk == 4 * r + q).astype(jnp.float32)
        E = (c1 == q * D + d1).astype(jnp.float32)
        yo = lax.dot_general(S, x, (((1,), (1,)), ((), ())),
                             preferred_element_type=jnp.float32)
        yp = lax.dot_general(S, y, (((1,), (1,)), ((), ())),
                             preferred_element_type=jnp.float32)
        acc_o = acc_o + jnp.dot(yo, E, preferred_element_type=jnp.float32)
        acc_p = acc_p + jnp.dot(yp, E, preferred_element_type=jnp.float32)
    o_ref[...] = acc_o
    p_ref[...] = acc_p


def _tc_transpose(out_t, emb_t):
    grid = (V + WIN - 1) // WIN
    return pl.pallas_call(
        _tc_t_body,
        grid=(grid,),
        in_specs=[pl.BlockSpec((D, WIN), lambda t: (0, t)),
                  pl.BlockSpec((D, WIN), lambda t: (0, t))],
        out_specs=[pl.BlockSpec((4 * D, 4 * D), lambda t: (t, 0)),
                   pl.BlockSpec((4 * D, 4 * D), lambda t: (t, 0))],
        out_shape=[jax.ShapeDtypeStruct((V // 4, 4 * D), jnp.float32),
                   jax.ShapeDtypeStruct((V // 4, 4 * D), jnp.float32)],
    )(out_t, emb_t)


def _gather_body(conv, cemb, uvb, negsb, pos_hbm, neg_hbm,
                 idxuA, idxuB, idxnA, idxnB, u_bufA, u_bufB,
                 v_bufA, v_bufB, vpA, vpB, posA, posB, negA, negB,
                 semXA, semXB, semGA, semGB, semWA, semWB):
    wid = lax.axis_index("s") * NC + lax.axis_index("c")
    iota = lax.iota(jnp.int32, L)

    def gidx(h):
        return wid * NHG + h

    def fire_idx(h, idxuv, idxn, sem):
        pltpu.async_copy(uvb.at[gidx(h)], idxuv, sem)
        pltpu.async_copy(negsb.at[gidx(h)], idxn, sem)

    def drain_idx(idxuv, idxn, sem):
        pltpu.make_async_copy(uvb.at[0], idxuv, sem).wait()
        pltpu.make_async_copy(negsb.at[0], idxn, sem).wait()

    def fire_g(idxuv, idxn, u_buf, v_buf, vp, sem):
        pltpu.async_copy(cemb.at[idxuv.at[pl.ds(0, HG)]], u_buf, sem)
        pltpu.async_copy(conv.at[idxuv.at[pl.ds(HG, HG)]], v_buf, sem)
        pltpu.async_copy(conv.at[idxn], vp, sem)

    def drain_g(u_buf, v_buf, vp, sem):
        pltpu.make_async_copy(cemb.at[idxuA.at[pl.ds(0, HG)]],
                              u_buf, sem).wait()
        pltpu.make_async_copy(cemb.at[idxuA.at[pl.ds(0, HG)]],
                              v_buf, sem).wait()
        pltpu.make_async_copy(conv.at[idxnA], vp, sem).wait()

    lane_hi = iota == (L - 1)

    def compute(u_buf, v_buf, vp, pos_buf, neg_buf):
        def item(k, _):
            u0 = u_buf[k, pl.ds(0, L)]
            u1 = u_buf[k, pl.ds(L, L)]
            v0 = v_buf[k, pl.ds(0, L)]
            v1 = v_buf[k, pl.ds(L, L)]
            sp = plsc.cumsum(u0 * v0 + u1 * v1)
            plsc.store_scatter(pos_buf, [jnp.full((L,), k, jnp.int32)],
                               sp, mask=lane_hi)
            for j in range(K):
                w0 = vp[j * HG + k, pl.ds(0, L)]
                w1 = vp[j * HG + k, pl.ds(L, L)]
                sj = plsc.cumsum(u0 * w0 + u1 * w1)
                plsc.store_scatter(neg_buf,
                                   [jnp.full((L,), j, jnp.int32),
                                    jnp.full((L,), k, jnp.int32)],
                                   sj, mask=lane_hi)
            return _
        lax.fori_loop(0, HG, item, 0)

    def fire_out(h, pos_buf, neg_buf, sem):
        pltpu.async_copy(pos_buf, pos_hbm.at[pl.ds(gidx(h) * HG, HG)], sem)
        pltpu.async_copy(neg_buf, neg_hbm.at[gidx(h)], sem)

    def drain_out(pos_buf, neg_buf, sem):
        pltpu.make_async_copy(pos_buf, pos_hbm.at[pl.ds(0, HG)], sem).wait()
        pltpu.make_async_copy(neg_buf, neg_hbm.at[0], sem).wait()

    fire_idx(0, idxuA, idxnA, semXA)
    drain_idx(idxuA, idxnA, semXA)
    fire_g(idxuA, idxnA, u_bufA, v_bufA, vpA, semGA)
    fire_idx(1, idxuB, idxnB, semXB)

    def step(jj, cr):
        hA = 2 * jj
        hB = 2 * jj + 1
        drain_idx(idxuB, idxnB, semXB)
        fire_g(idxuB, idxnB, u_bufB, v_bufB, vpB, semGB)

        drain_g(u_bufA, v_bufA, vpA, semGA)
        compute(u_bufA, v_bufA, vpA, posA, negA)

        @pl.when(jj > 0)
        def _():
            drain_out(posA, negA, semWA)
        fire_out(hA, posA, negA, semWA)

        @pl.when(jj < 3)
        def _():
            fire_idx(hA + 2, idxuA, idxnA, semXA)
            drain_idx(idxuA, idxnA, semXA)
            fire_g(idxuA, idxnA, u_bufA, v_bufA, vpA, semGA)
            fire_idx(hB + 2, idxuB, idxnB, semXB)

        drain_g(u_bufB, v_bufB, vpB, semGB)
        compute(u_bufB, v_bufB, vpB, posB, negB)

        @pl.when(jj > 0)
        def _():
            drain_out(posB, negB, semWB)
        fire_out(hB, posB, negB, semWB)
        return cr
    lax.fori_loop(0, NHG // 2, step, 0)

    drain_out(posA, negA, semWA)
    drain_out(posB, negB, semWB)


def _gather(conv, cemb, uvb, negsb):
    mesh = plsc.VectorSubcoreMesh(core_axis_name="c", subcore_axis_name="s")
    f = pl.kernel(
        _gather_body,
        out_type=[
            jax.ShapeDtypeStruct((B,), jnp.float32),
            jax.ShapeDtypeStruct((NW * NHG, K, HG), jnp.float32),
        ],
        mesh=mesh,
        scratch_types=[
            pltpu.VMEM((2 * HG,), jnp.int32),
            pltpu.VMEM((2 * HG,), jnp.int32),
            pltpu.VMEM((K * HG,), jnp.int32),
            pltpu.VMEM((K * HG,), jnp.int32),
            pltpu.VMEM((HG, D), jnp.float32),
            pltpu.VMEM((HG, D), jnp.float32),
            pltpu.VMEM((HG, D), jnp.float32),
            pltpu.VMEM((HG, D), jnp.float32),
            pltpu.VMEM((K * HG, D), jnp.float32),
            pltpu.VMEM((K * HG, D), jnp.float32),
            pltpu.VMEM((HG,), jnp.float32),
            pltpu.VMEM((HG,), jnp.float32),
            pltpu.VMEM((K, HG), jnp.float32),
            pltpu.VMEM((K, HG), jnp.float32),
            pltpu.SemaphoreType.DMA,
            pltpu.SemaphoreType.DMA,
            pltpu.SemaphoreType.DMA,
            pltpu.SemaphoreType.DMA,
            pltpu.SemaphoreType.DMA,
            pltpu.SemaphoreType.DMA,
        ],
        compiler_params=pltpu.CompilerParams(needs_layout_passes=False,
                                             use_tc_tiling_on_sc=False),
    )
    return f(conv, cemb, uvb, negsb)


def _tc_loss_body(pos_ref, neg_ref, out_ref):
    p = pos_ref[...]
    n = neg_ref[...]

    def logsig(x):
        return jnp.minimum(x, 0.0) - jnp.log1p(jnp.exp(-jnp.abs(x)))

    total = jnp.sum(logsig(p)) + jnp.sum(logsig(-n))
    out_ref[...] = jnp.reshape(-total / B, (1, 1))


def _tc_loss(pos, neg):
    return pl.pallas_call(
        _tc_loss_body,
        out_shape=jax.ShapeDtypeStruct((1, 1), jnp.float32),
    )(pos.reshape(128, B // 128), neg.reshape(B * K // 128, 128))


def kernel(context, target, negatives, emb_table, out_table):
    neg_t = negatives.astype(jnp.int32).T
    conv = out_table
    cemb = emb_table
    uvb = jnp.concatenate([context.astype(jnp.int32).reshape(B // HG, HG),
                           target.astype(jnp.int32).reshape(B // HG, HG)],
                          axis=1)
    negsb = (neg_t.reshape(K, B // HG, HG)
             .transpose(1, 0, 2).reshape(B // HG, K * HG))
    pos_sims, neg_sims = _gather(conv, cemb, uvb, negsb)
    loss = _tc_loss(pos_sims, neg_sims.reshape(-1))
    return loss[0, 0]

# --- scband reference (transcript-rebuilt; emitter-appended) ---
"""Pipeline reference for scband-sgnsmodel-36472862277846 (READ-ONLY COPY).

The authoritative reference and input builder live on the scoring server;
editing this copy changes nothing except your own understanding.
"""

import jax, jax.numpy as jnp
import numpy as np

VOCAB = 1000000
EMB_DIM = 32
BATCH = 16384
NUM_NEG = 20


def setup_inputs(seed: int = 0) -> dict:
    key = jax.random.key(seed)
    k1, k2, k3, k4, k5 = jax.random.split(key, 5)
    context = jax.random.randint(k1, (BATCH,), 0, VOCAB, dtype=jnp.int64 if jax.config.jax_enable_x64 else jnp.int32)
    target = jax.random.randint(k2, (BATCH,), 0, VOCAB, dtype=jnp.int64 if jax.config.jax_enable_x64 else jnp.int32)
    negatives = jax.random.randint(k3, (BATCH, NUM_NEG), 0, VOCAB, dtype=jnp.int64 if jax.config.jax_enable_x64 else jnp.int32)
    emb_table = jax.random.normal(k4, (VOCAB, EMB_DIM), dtype=jnp.float32)
    out_table = jax.random.normal(k5, (VOCAB, EMB_DIM), dtype=jnp.float32)
    return {
        "context": context,
        "target": target,
        "negatives": negatives,
        "emb_table": emb_table,
        "out_table": out_table,
    }


def reference(context, target, negatives, emb_table, out_table):
    # u = self._emb(context)
    u = jnp.take(emb_table, context, axis=0)              # [B, D]
    # v = self._out_layer(target)
    v = jnp.take(out_table, target, axis=0)               # [B, D]
    # vp = self._out_layer(negatives)
    vp = jnp.take(out_table, negatives, axis=0)           # [B, K, D]
    pos = jax.nn.log_sigmoid(jnp.sum(v * u, axis=-1))     # [B]
    neg_sim = jnp.sum(-vp * u[:, None, :], axis=-1)       # [B, K]
    neg = jnp.sum(jax.nn.log_sigmoid(neg_sim), axis=-1)   # [B]
    return -jnp.mean(pos + neg)

if __name__ == "__main__":
    import jax
    _d = setup_inputs()
    print(jax.jit(kernel)(*tuple(_d.values())))

</pallas_src>

<mosaic_0001>
#map = affine_map<(d0, d1) -> (0, 0)>
#map1 = affine_map<(d0, d1) -> (0)>
#map2 = affine_map<(d0, d1) -> (0, 0, 0)>
module attributes {stable_mosaic.version = 14 : i64} {
  func.func @_gather_body(%arg0: i32, %arg1: i32, %arg2: memref<1000000x32xf32, #tpu.memory_space<hbm>>, %arg3: memref<1000000x32xf32, #tpu.memory_space<hbm>>, %arg4: memref<256x128xi32, #tpu.memory_space<hbm>>, %arg5: memref<256x1280xi32, #tpu.memory_space<hbm>>, %arg6: memref<16384xf32, #tpu.memory_space<hbm>>, %arg7: memref<256x20x64xf32, #tpu.memory_space<hbm>>, %arg8: memref<128xi32, #tpu.memory_space<vmem>>, %arg9: memref<128xi32, #tpu.memory_space<vmem>>, %arg10: memref<1280xi32, #tpu.memory_space<vmem>>, %arg11: memref<1280xi32, #tpu.memory_space<vmem>>, %arg12: memref<64x32xf32, #tpu.memory_space<vmem>>, %arg13: memref<64x32xf32, #tpu.memory_space<vmem>>, %arg14: memref<64x32xf32, #tpu.memory_space<vmem>>, %arg15: memref<64x32xf32, #tpu.memory_space<vmem>>, %arg16: memref<1280x32xf32, #tpu.memory_space<vmem>>, %arg17: memref<1280x32xf32, #tpu.memory_space<vmem>>, %arg18: memref<64xf32, #tpu.memory_space<vmem>>, %arg19: memref<64xf32, #tpu.memory_space<vmem>>, %arg20: memref<20x64xf32, #tpu.memory_space<vmem>>, %arg21: memref<20x64xf32, #tpu.memory_space<vmem>>, %arg22: memref<!tpu.dma_semaphore, #tpu.memory_space<semaphore_mem>>, %arg23: memref<!tpu.dma_semaphore, #tpu.memory_space<semaphore_mem>>, %arg24: memref<!tpu.dma_semaphore, #tpu.memory_space<semaphore_mem>>, %arg25: memref<!tpu.dma_semaphore, #tpu.memory_space<semaphore_mem>>, %arg26: memref<!tpu.dma_semaphore, #tpu.memory_space<semaphore_mem>>, %arg27: memref<!tpu.dma_semaphore, #tpu.memory_space<semaphore_mem>>) attributes {dimension_semantics = [#tpu.dimension_semantics<core_parallel>, #tpu.dimension_semantics<subcore_parallel>], iteration_bounds = array<i64: 2, 16>, scalar_prefetch = 0 : i64, scratch_operands = 20 : i64, tpu.core_type = #tpu.core_type<sc_vector_subcore>, window_params = [{transform_indices = #map}, {transform_indices = #map}, {transform_indices = #map}, {transform_indices = #map}, {transform_indices = #map1}, {transform_indices = #map2}]} {
    %mul3A = arith.constant 2 : i32
    %mul3A_0 = arith.muli %arg1, %mul3A : i32
    %add3A = arith.addi %mul3A_0, %arg0 : i32
    %iota3A = tpu.iota {dimensions = array<i32: 0>} : vector<16xi32>
    %eq3A = arith.constant 15 : i32
    %eq3A_1 = vector.broadcast %eq3A : i32 to vector<16xi32>
    %eq3A_2 = arith.cmpi eq, %iota3A, %eq3A_1 : vector<16xi32>
    %mul3A_3 = arith.constant 8 : i32
    %mul3A_4 = arith.muli %add3A, %mul3A_3 : i32
    %add3A_5 = arith.constant 0 : i32
    %add3A_6 = arith.addi %mul3A_4, %add3A_5 : i32
    %dma_start3A = arith.constant 0 : i32
    %dma_start3A_7 = tpu.memref_slice %arg4[%add3A_6, %dma_start3A] : memref<256x128xi32, #tpu.memory_space<hbm>> -> memref<1x128xi32, #tpu.memory_space<hbm>>
    %dma_start3A_8 = tpu.memref_squeeze %dma_start3A_7 : memref<1x128xi32, #tpu.memory_space<hbm>> -> memref<128xi32, #tpu.memory_space<hbm>>
    %dma_start3A_9 = arith.constant 0 : i32
    %dma_start3A_10 = tpu.memref_slice %arg4[%add3A_6, %dma_start3A_9] : memref<256x128xi32, #tpu.memory_space<hbm>> -> memref<1x128xi32, #tpu.memory_space<hbm>>
    %dma_start3A_11 = tpu.memref_squeeze %dma_start3A_10 : memref<1x128xi32, #tpu.memory_space<hbm>> -> memref<128xi32, #tpu.memory_space<hbm>>
    tpu.enqueue_dma source(%dma_start3A_11 : memref<128xi32, #tpu.memory_space<hbm>>) target(%arg8 : memref<128xi32, #tpu.memory_space<vmem>>) target_semaphore(%arg22 : memref<!tpu.dma_semaphore, #tpu.memory_space<semaphore_mem>>)
    %mul3A_12 = arith.constant 8 : i32
    %mul3A_13 = arith.muli %add3A, %mul3A_12 : i32
    %add3A_14 = arith.constant 0 : i32
    %add3A_15 = arith.addi %mul3A_13, %add3A_14 : i32
    %dma_start3A_16 = arith.constant 0 : i32
    %dma_start3A_17 = tpu.memref_slice %arg5[%add3A_15, %dma_start3A_16] : memref<256x1280xi32, #tpu.memory_space<hbm>> -> memref<1x1280xi32, #tpu.memory_space<hbm>>
    %dma_start3A_18 = tpu.memref_squeeze %dma_start3A_17 : memref<1x1280xi32, #tpu.memory_space<hbm>> -> memref<1280xi32, #tpu.memory_space<hbm>>
    %dma_start3A_19 = arith.constant 0 : i32
    %dma_start3A_20 = tpu.memref_slice %arg5[%add3A_15, %dma_start3A_19] : memref<256x1280xi32, #tpu.memory_space<hbm>> -> memref<1x1280xi32, #tpu.memory_space<hbm>>
    %dma_start3A_21 = tpu.memref_squeeze %dma_start3A_20 : memref<1x1280xi32, #tpu.memory_space<hbm>> -> memref<1280xi32, #tpu.memory_space<hbm>>
    tpu.enqueue_dma source(%dma_start3A_21 : memref<1280xi32, #tpu.memory_space<hbm>>) target(%arg10 : memref<1280xi32, #tpu.memory_space<vmem>>) target_semaphore(%arg22 : memref<!tpu.dma_semaphore, #tpu.memory_space<semaphore_mem>>)
    %dma_wait3A = arith.constant 0 : i32
    %dma_wait3A_22 = arith.constant 0 : i32
    %dma_wait3A_23 = tpu.memref_slice %arg4[%dma_wait3A, %dma_wait3A_22] : memref<256x128xi32, #tpu.memory_space<hbm>> -> memref<1x128xi32, #tpu.memory_space<hbm>>
    %dma_wait3A_24 = tpu.memref_squeeze %dma_wait3A_23 : memref<1x128xi32, #tpu.memory_space<hbm>> -> memref<128xi32, #tpu.memory_space<hbm>>
    %dma_wait3A_25 = arith.constant 0 : i32
    %dma_wait3A_26 = tpu.memref_slice %arg4[%dma_wait3A, %dma_wait3A_25] : memref<256x128xi32, #tpu.memory_space<hbm>> -> memref<1x128xi32, #tpu.memory_space<hbm>>
    %dma_wait3A_27 = tpu.memref_squeeze %dma_wait3A_26 : memref<1x128xi32, #tpu.memory_space<hbm>> -> memref<128xi32, #tpu.memory_space<hbm>>
    tpu.wait_dma2 semaphore(%arg22 : memref<!tpu.dma_semaphore, #tpu.memory_space<semaphore_mem>>) src(%dma_wait3A_27 : memref<128xi32, #tpu.memory_space<hbm>>) dst(%arg8 : memref<128xi32, #tpu.memory_space<vmem>>)
    %dma_wait3A_28 = arith.constant 0 : i32
    %dma_wait3A_29 = arith.constant 0 : i32
    %dma_wait3A_30 = tpu.memref_slice %arg5[%dma_wait3A_28, %dma_wait3A_29] : memref<256x1280xi32, #tpu.memory_space<hbm>> -> memref<1x1280xi32, #tpu.memory_space<hbm>>
    %dma_wait3A_31 = tpu.memref_squeeze %dma_wait3A_30 : memref<1x1280xi32, #tpu.memory_space<hbm>> -> memref<1280xi32, #tpu.memory_space<hbm>>
    %dma_wait3A_32 = arith.constant 0 : i32
    %dma_wait3A_33 = tpu.memref_slice %arg5[%dma_wait3A_28, %dma_wait3A_32] : memref<256x1280xi32, #tpu.memory_space<hbm>> -> memref<1x1280xi32, #tpu.memory_space<hbm>>
    %dma_wait3A_34 = tpu.memref_squeeze %dma_wait3A_33 : memref<1x1280xi32, #tpu.memory_space<hbm>> -> memref<1280xi32, #tpu.memory_space<hbm>>
    tpu.wait_dma2 semaphore(%arg22 : memref<!tpu.dma_semaphore, #tpu.memory_space<semaphore_mem>>) src(%dma_wait3A_34 : memref<1280xi32, #tpu.memory_space<hbm>>) dst(%arg10 : memref<1280xi32, #tpu.memory_space<vmem>>)
    %dma_start3A_35 = arith.constant 0 : i32
    %dma_start3A_36 = tpu.memref_slice %arg8[%dma_start3A_35] : memref<128xi32, #tpu.memory_space<vmem>> -> memref<64xi32, #tpu.memory_space<vmem>>
    %dma_start3A_37 = arith.constant 0 : i32
    %dma_start3A_38 = arith.constant 0 : i32
    %dma_start3A_39 = tpu.memref_slice %arg3[%dma_start3A_37, %dma_start3A_38] : memref<1000000x32xf32, #tpu.memory_space<hbm>> -> memref<1000000x32xf32, #tpu.memory_space<hbm>>
    tpu.enqueue_indirect_dma source(%dma_start3A_39 : memref<1000000x32xf32, #tpu.memory_space<hbm>>) target(%arg12 : memref<64x32xf32, #tpu.memory_space<vmem>>) offsets(%dma_start3A_36 : memref<64xi32, #tpu.memory_space<vmem>>) semaphore(%arg24 : memref<!tpu.dma_semaphore, #tpu.memory_space<semaphore_mem>>)
    %dma_start3A_40 = arith.constant 64 : i32
    %dma_start3A_41 = tpu.memref_slice %arg8[%dma_start3A_40] : memref<128xi32, #tpu.memory_space<vmem>> -> memref<64xi32, #tpu.memory_space<vmem>>
    %dma_start3A_42 = arith.constant 0 : i32
    %dma_start3A_43 = arith.constant 0 : i32
    %dma_start3A_44 = tpu.memref_slice %arg2[%dma_start3A_42, %dma_start3A_43] : memref<1000000x32xf32, #tpu.memory_space<hbm>> -> memref<1000000x32xf32, #tpu.memory_space<hbm>>
    tpu.enqueue_indirect_dma source(%dma_start3A_44 : memref<1000000x32xf32, #tpu.memory_space<hbm>>) target(%arg14 : memref<64x32xf32, #tpu.memory_space<vmem>>) offsets(%dma_start3A_41 : memref<64xi32, #tpu.memory_space<vmem>>) semaphore(%arg24 : memref<!tpu.dma_semaphore, #tpu.memory_space<semaphore_mem>>)
    %dma_start3A_45 = arith.constant 0 : i32
    %dma_start3A_46 = arith.constant 0 : i32
    %dma_start3A_47 = tpu.memref_slice %arg2[%dma_start3A_45, %dma_start3A_46] : memref<1000000x32xf32, #tpu.memory_space<hbm>> -> memref<1000000x32xf32, #tpu.memory_space<hbm>>
    tpu.enqueue_indirect_dma source(%dma_start3A_47 : memref<1000000x32xf32, #tpu.memory_space<hbm>>) target(%arg16 : memref<1280x32xf32, #tpu.memory_space<vmem>>) offsets(%arg10 : memref<1280xi32, #tpu.memory_space<vmem>>) semaphore(%arg24 : memref<!tpu.dma_semaphore, #tpu.memory_space<semaphore_mem>>)
    %mul3A_48 = arith.constant 8 : i32
    %mul3A_49 = arith.muli %add3A, %mul3A_48 : i32
    %add3A_50 = arith.constant 1 : i32
    %add3A_51 = arith.addi %mul3A_49, %add3A_50 : i32
    %dma_start3A_52 = arith.constant 0 : i32
    %dma_start3A_53 = tpu.memref_slice %arg4[%add3A_51, %dma_start3A_52] : memref<256x128xi32, #tpu.memory_space<hbm>> -> memref<1x128xi32, #tpu.memory_space<hbm>>
    %dma_start3A_54 = tpu.memref_squeeze %dma_start3A_53 : memref<1x128xi32, #tpu.memory_space<hbm>> -> memref<128xi32, #tpu.memory_space<hbm>>
    %dma_start3A_55 = arith.constant 0 : i32
    %dma_start3A_56 = tpu.memref_slice %arg4[%add3A_51, %dma_start3A_55] : memref<256x128xi32, #tpu.memory_space<hbm>> -> memref<1x128xi32, #tpu.memory_space<hbm>>
    %dma_start3A_57 = tpu.memref_squeeze %dma_start3A_56 : memref<1x128xi32, #tpu.memory_space<hbm>> -> memref<128xi32, #tpu.memory_space<hbm>>
    tpu.enqueue_dma source(%dma_start3A_57 : memref<128xi32, #tpu.memory_space<hbm>>) target(%arg9 : memref<128xi32, #tpu.memory_space<vmem>>) target_semaphore(%arg23 : memref<!tpu.dma_semaphore, #tpu.memory_space<semaphore_mem>>)
    %mul3A_58 = arith.constant 8 : i32
    %mul3A_59 = arith.muli %add3A, %mul3A_58 : i32
    %add3A_60 = arith.constant 1 : i32
    %add3A_61 = arith.addi %mul3A_59, %add3A_60 : i32
    %dma_start3A_62 = arith.constant 0 : i32
    %dma_start3A_63 = tpu.memref_slice %arg5[%add3A_61, %dma_start3A_62] : memref<256x1280xi32, #tpu.memory_space<hbm>> -> memref<1x1280xi32, #tpu.memory_space<hbm>>
    %dma_start3A_64 = tpu.memref_squeeze %dma_start3A_63 : memref<1x1280xi32, #tpu.memory_space<hbm>> -> memref<1280xi32, #tpu.memory_space<hbm>>
    %dma_start3A_65 = arith.constant 0 : i32
    %dma_start3A_66 = tpu.memref_slice %arg5[%add3A_61, %dma_start3A_65] : memref<256x1280xi32, #tpu.memory_space<hbm>> -> memref<1x1280xi32, #tpu.memory_space<hbm>>
    %dma_start3A_67 = tpu.memref_squeeze %dma_start3A_66 : memref<1x1280xi32, #tpu.memory_space<hbm>> -> memref<1280xi32, #tpu.memory_space<hbm>>
    tpu.enqueue_dma source(%dma_start3A_67 : memref<1280xi32, #tpu.memory_space<hbm>>) target(%arg11 : memref<1280xi32, #tpu.memory_space<vmem>>) target_semaphore(%arg23 : memref<!tpu.dma_semaphore, #tpu.memory_space<semaphore_mem>>)
    %scan3A = arith.constant 0 : i32
    %scan3A_68 = arith.constant 0 : i32
    %scan3A_69 = arith.constant 4 : i32
    %scan3A_70 = arith.addi %scan3A_68, %scan3A_69 : i32
    %scan3A_71 = arith.constant 1 : i32
    scf.for %scan3A_99 = %scan3A_68 to %scan3A_70 step %scan3A_71  : i32 {
      %mul3A_100 = arith.constant 2 : i32
      %mul3A_101 = arith.muli %mul3A_100, %scan3A_99 : i32
      %mul3A_102 = arith.constant 2 : i32
      %mul3A_103 = arith.muli %mul3A_102, %scan3A_99 : i32
      %add3A_104 = arith.constant 1 : i32
      %add3A_105 = arith.addi %mul3A_103, %add3A_104 : i32
      %dma_wait3A_106 = arith.constant 0 : i32
      %dma_wait3A_107 = arith.constant 0 : i32
      %dma_wait3A_108 = tpu.memref_slice %arg4[%dma_wait3A_106, %dma_wait3A_107] : memref<256x128xi32, #tpu.memory_space<hbm>> -> memref<1x128xi32, #tpu.memory_space<hbm>>
      %dma_wait3A_109 = tpu.memref_squeeze %dma_wait3A_108 : memref<1x128xi32, #tpu.memory_space<hbm>> -> memref<128xi32, #tpu.memory_space<hbm>>
      %dma_wait3A_110 = arith.constant 0 : i32
      %dma_wait3A_111 = tpu.memref_slice %arg4[%dma_wait3A_106, %dma_wait3A_110] : memref<256x128xi32, #tpu.memory_space<hbm>> -> memref<1x128xi32, #tpu.memory_space<hbm>>
      %dma_wait3A_112 = tpu.memref_squeeze %dma_wait3A_111 : memref<1x128xi32, #tpu.memory_space<hbm>> -> memref<128xi32, #tpu.memory_space<hbm>>
      tpu.wait_dma2 semaphore(%arg23 : memref<!tpu.dma_semaphore, #tpu.memory_space<semaphore_mem>>) src(%dma_wait3A_112 : memref<128xi32, #tpu.memory_space<hbm>>) dst(%arg9 : memref<128xi32, #tpu.memory_space<vmem>>)
      %dma_wait3A_113 = arith.constant 0 : i32
      %dma_wait3A_114 = arith.constant 0 : i32
      %dma_wait3A_115 = tpu.memref_slice %arg5[%dma_wait3A_113, %dma_wait3A_114] : memref<256x1280xi32, #tpu.memory_space<hbm>> -> memref<1x1280xi32, #tpu.memory_space<hbm>>
      %dma_wait3A_116 = tpu.memref_squeeze %dma_wait3A_115 : memref<1x1280xi32, #tpu.memory_space<hbm>> -> memref<1280xi32, #tpu.memory_space<hbm>>
      %dma_wait3A_117 = arith.constant 0 : i32
      %dma_wait3A_118 = tpu.memref_slice %arg5[%dma_wait3A_113, %dma_wait3A_117] : memref<256x1280xi32, #tpu.memory_space<hbm>> -> memref<1x1280xi32, #tpu.memory_space<hbm>>
      %dma_wait3A_119 = tpu.memref_squeeze %dma_wait3A_118 : memref<1x1280xi32, #tpu.memory_space<hbm>> -> memref<1280xi32, #tpu.memory_space<hbm>>
      tpu.wait_dma2 semaphore(%arg23 : memref<!tpu.dma_semaphore, #tpu.memory_space<semaphore_mem>>) src(%dma_wait3A_119 : memref<1280xi32, #tpu.memory_space<hbm>>) dst(%arg11 : memref<1280xi32, #tpu.memory_space<vmem>>)
      %dma_start3A_120 = arith.constant 0 : i32
      %dma_start3A_121 = tpu.memref_slice %arg9[%dma_start3A_120] : memref<128xi32, #tpu.memory_space<vmem>> -> memref<64xi32, #tpu.memory_space<vmem>>
      %dma_start3A_122 = arith.constant 0 : i32
      %dma_start3A_123 = arith.constant 0 : i32
      %dma_start3A_124 = tpu.memref_slice %arg3[%dma_start3A_122, %dma_start3A_123] : memref<1000000x32xf32, #tpu.memory_space<hbm>> -> memref<1000000x32xf32, #tpu.memory_space<hbm>>
      tpu.enqueue_indirect_dma source(%dma_start3A_124 : memref<1000000x32xf32, #tpu.memory_space<hbm>>) target(%arg13 : memref<64x32xf32, #tpu.memory_space<vmem>>) offsets(%dma_start3A_121 : memref<64xi32, #tpu.memory_space<vmem>>) semaphore(%arg25 : memref<!tpu.dma_semaphore, #tpu.memory_space<semaphore_mem>>)
      %dma_start3A_125 = arith.constant 64 : i32
      %dma_start3A_126 = tpu.memref_slice %arg9[%dma_start3A_125] : memref<128xi32, #tpu.memory_space<vmem>> -> memref<64xi32, #tpu.memory_space<vmem>>
      %dma_start3A_127 = arith.constant 0 : i32
      %dma_start3A_128 = arith.constant 0 : i32
      %dma_start3A_129 = tpu.memref_slice %arg2[%dma_start3A_127, %dma_start3A_128] : memref<1000000x32xf32, #tpu.memory_space<hbm>> -> memref<1000000x32xf32, #tpu.memory_space<hbm>>
      tpu.enqueue_indirect_dma source(%dma_start3A_129 : memref<1000000x32xf32, #tpu.memory_space<hbm>>) target(%arg15 : memref<64x32xf32, #tpu.memory_space<vmem>>) offsets(%dma_start3A_126 : memref<64xi32, #tpu.memory_space<vmem>>) semaphore(%arg25 : memref<!tpu.dma_semaphore, #tpu.memory_space<semaphore_mem>>)
      %dma_start3A_130 = arith.constant 0 : i32
      %dma_start3A_131 = arith.constant 0 : i32
      %dma_start3A_132 = tpu.memref_slice %arg2[%dma_start3A_130, %dma_start3A_131] : memref<1000000x32xf32, #tpu.memory_space<hbm>> -> memref<1000000x32xf32, #tpu.memory_space<hbm>>
      tpu.enqueue_indirect_dma source(%dma_start3A_132 : memref<1000000x32xf32, #tpu.memory_space<hbm>>) target(%arg17 : memref<1280x32xf32, #tpu.memory_space<vmem>>) offsets(%arg11 : memref<1280xi32, #tpu.memory_space<vmem>>) semaphore(%arg25 : memref<!tpu.dma_semaphore, #tpu.memory_space<semaphore_mem>>)
      %dma_wait3A_133 = arith.constant 0 : i32
      %dma_wait3A_134 = tpu.memref_slice %arg8[%dma_wait3A_133] : memref<128xi32, #tpu.memory_space<vmem>> -> memref<64xi32, #tpu.memory_space<vmem>>
      %dma_wait3A_135 = arith.constant 0 : i32
      %dma_wait3A_136 = arith.constant 0 : i32
      %dma_wait3A_137 = tpu.memref_slice %arg3[%dma_wait3A_135, %dma_wait3A_136] : memref<1000000x32xf32, #tpu.memory_space<hbm>> -> memref<1000000x32xf32, #tpu.memory_space<hbm>>
      tpu.wait_indirect_dma semaphore(%arg24 : memref<!tpu.dma_semaphore, #tpu.memory_space<semaphore_mem>>) src(%dma_wait3A_137 : memref<1000000x32xf32, #tpu.memory_space<hbm>>) dst(%arg12 : memref<64x32xf32, #tpu.memory_space<vmem>>)
      %dma_wait3A_138 = arith.constant 0 : i32
      %dma_wait3A_139 = tpu.memref_slice %arg8[%dma_wait3A_138] : memref<128xi32, #tpu.memory_space<vmem>> -> memref<64xi32, #tpu.memory_space<vmem>>
      %dma_wait3A_140 = arith.constant 0 : i32
      %dma_wait3A_141 = arith.constant 0 : i32
      %dma_wait3A_142 = tpu.memref_slice %arg3[%dma_wait3A_140, %dma_wait3A_141] : memref<1000000x32xf32, #tpu.memory_space<hbm>> -> memref<1000000x32xf32, #tpu.memory_space<hbm>>
      tpu.wait_indirect_dma semaphore(%arg24 : memref<!tpu.dma_semaphore, #tpu.memory_space<semaphore_mem>>) src(%dma_wait3A_142 : memref<1000000x32xf32, #tpu.memory_space<hbm>>) dst(%arg14 : memref<64x32xf32, #tpu.memory_space<vmem>>)
      %dma_wait3A_143 = arith.constant 0 : i32
      %dma_wait3A_144 = arith.constant 0 : i32
      %dma_wait3A_145 = tpu.memref_slice %arg2[%dma_wait3A_143, %dma_wait3A_144] : memref<1000000x32xf32, #tpu.memory_space<hbm>> -> memref<1000000x32xf32, #tpu.memory_space<hbm>>
      tpu.wait_indirect_dma semaphore(%arg24 : memref<!tpu.dma_semaphore, #tpu.memory_space<semaphore_mem>>) src(%dma_wait3A_145 : memref<1000000x32xf32, #tpu.memory_space<hbm>>) dst(%arg16 : memref<1280x32xf32, #tpu.memory_space<vmem>>)
      %scan3A_146 = arith.constant 0 : i32
      %scan3A_147 = arith.constant 0 : i32
      %scan3A_148 = arith.constant 64 : i32
      %scan3A_149 = arith.addi %scan3A_147, %scan3A_148 : i32
      %scan3A_150 = arith.constant 1 : i32
      scf.for %scan3A_218 = %scan3A_147 to %scan3A_149 step %scan3A_150  : i32 {
        %get3A = arith.index_cast %scan3A_218 : i32 to index
        %get3A_219 = arith.constant 0 : index
        %get3A_220 = tpu.vector_load %arg12[%get3A, %get3A_219] {strides = array<i32>} : memref<64x32xf32, #tpu.memory_space<vmem>>, vector<16xf32>,
        %get3A_221 = arith.index_cast %scan3A_218 : i32 to index
        %get3A_222 = arith.constant 16 : index
        %get3A_223 = tpu.vector_load %arg12[%get3A_221, %get3A_222] {strides = array<i32>} : memref<64x32xf32, #tpu.memory_space<vmem>>, vector<16xf32>,
        %get3A_224 = arith.index_cast %scan3A_218 : i32 to index
        %get3A_225 = arith.constant 0 : index
        %get3A_226 = tpu.vector_load %arg14[%get3A_224, %get3A_225] {strides = array<i32>} : memref<64x32xf32, #tpu.memory_space<vmem>>, vector<16xf32>,
        %get3A_227 = arith.index_cast %scan3A_218 : i32 to index
        %get3A_228 = arith.constant 16 : index
        %get3A_229 = tpu.vector_load %arg14[%get3A_227, %get3A_228] {strides = array<i32>} : memref<64x32xf32, #tpu.memory_space<vmem>>, vector<16xf32>,
        %mul3A_230 = arith.mulf %get3A_220, %get3A_226 : vector<16xf32>
        %mul3A_231 = arith.mulf %get3A_223, %get3A_229 : vector<16xf32>
        %add3A_232 = arith.addf %mul3A_230, %mul3A_231 : vector<16xf32>
        %broadcast_in_dim3A = arith.constant true
        %broadcast_in_dim3A_233 = vector.broadcast %broadcast_in_dim3A : i1 to vector<16xi1>
        %masked_cumsum3A = tpu.scan <sum>, %add3A_232 masked %broadcast_in_dim3A_233 : vector<16xf32>, vector<16xi1> -> vector<16xf32>
        %broadcast_in_dim3A_234 = vector.broadcast %scan3A_218 : i32 to vector<16xi32>
        tpu.vector_store_idx %arg18[%broadcast_in_dim3A_234], %masked_cumsum3A masked %eq3A_2 : memref<64xf32, #tpu.memory_space<vmem>>[vector<16xi32>], vector<16xf32>, vector<16xi1>
        %add3A_235 = arith.constant 0 : i32
        %add3A_236 = arith.addi %add3A_235, %scan3A_218 : i32
        %get3A_237 = arith.index_cast %add3A_236 : i32 to index
        %get3A_238 = arith.constant 0 : index
        %get3A_239 = tpu.vector_load %arg16[%get3A_237, %get3A_238] {strides = array<i32>} : memref<1280x32xf32, #tpu.memory_space<vmem>>, vector<16xf32>,
        %add3A_240 = arith.constant 0 : i32
        %add3A_241 = arith.addi %add3A_240, %scan3A_218 : i32
        %get3A_242 = arith.index_cast %add3A_241 : i32 to index
        %get3A_243 = arith.constant 16 : index
        %get3A_244 = tpu.vector_load %arg16[%get3A_242, %get3A_243] {strides = array<i32>} : memref<1280x32xf32, #tpu.memory_space<vmem>>, vector<16xf32>,
        %mul3A_245 = arith.mulf %get3A_220, %get3A_239 : vector<16xf32>
        %mul3A_246 = arith.mulf %get3A_223, %get3A_244 : vector<16xf32>
        %add3A_247 = arith.addf %mul3A_245, %mul3A_246 : vector<16xf32>
        %broadcast_in_dim3A_248 = arith.constant true
        %broadcast_in_dim3A_249 = vector.broadcast %broadcast_in_dim3A_248 : i1 to vector<16xi1>
        %masked_cumsum3A_250 = tpu.scan <sum>, %add3A_247 masked %broadcast_in_dim3A_249 : vector<16xf32>, vector<16xi1> -> vector<16xf32>
        %broadcast_in_dim3A_251 = arith.constant 0 : i32
        %broadcast_in_dim3A_252 = vector.broadcast %broadcast_in_dim3A_251 : i32 to vector<16xi32>
        %broadcast_in_dim3A_253 = vector.broadcast %scan3A_218 : i32 to vector<16xi32>
        tpu.vector_store_idx %arg20[%broadcast_in_dim3A_252, %broadcast_in_dim3A_253], %masked_cumsum3A_250 masked %eq3A_2 : memref<20x64xf32, #tpu.memory_space<vmem>>[vector<16xi32>, vector<16xi32>], vector<16xf32>, vector<16xi1>
        %add3A_254 = arith.constant 64 : i32
        %add3A_255 = arith.addi %add3A_254, %scan3A_218 : i32
        %get3A_256 = arith.index_cast %add3A_255 : i32 to index
        %get3A_257 = arith.constant 0 : index
        %get3A_258 = tpu.vector_load %arg16[%get3A_256, %get3A_257] {strides = array<i32>} : memref<1280x32xf32, #tpu.memory_space<vmem>>, vector<16xf32>,
        %add3A_259 = arith.constant 64 : i32
        %add3A_260 = arith.addi %add3A_259, %scan3A_218 : i32
        %get3A_261 = arith.index_cast %add3A_260 : i32 to index
        %get3A_262 = arith.constant 16 : index
        %get3A_263 = tpu.vector_load %arg16[%get3A_261, %get3A_262] {strides = array<i32>} : memref<1280x32xf32, #tpu.memory_space<vmem>>, vector<16xf32>,
        %mul3A_264 = arith.mulf %get3A_220, %get3A_258 : vector<16xf32>
        %mul3A_265 = arith.mulf %get3A_223, %get3A_263 : vector<16xf32>
        %add3A_266 = arith.addf %mul3A_264, %mul3A_265 : vector<16xf32>
        %broadcast_in_dim3A_267 = arith.constant true
        %broadcast_in_dim3A_268 = vector.broadcast %broadcast_in_dim3A_267 : i1 to vector<16xi1>
        %masked_cumsum3A_269 = tpu.scan <sum>, %add3A_266 masked %broadcast_in_dim3A_268 : vector<16xf32>, vector<16xi1> -> vector<16xf32>
        %broadcast_in_dim3A_270 = arith.constant 1 : i32
        %broadcast_in_dim3A_271 = vector.broadcast %broadcast_in_dim3A_270 : i32 to vector<16xi32>
        %broadcast_in_dim3A_272 = vector.broadcast %scan3A_218 : i32 to vector<16xi32>
        tpu.vector_store_idx %arg20[%broadcast_in_dim3A_271, %broadcast_in_dim3A_272], %masked_cumsum3A_269 masked %eq3A_2 : memref<20x64xf32, #tpu.memory_space<vmem>>[vector<16xi32>, vector<16xi32>], vector<16xf32>, vector<16xi1>
        %add3A_273 = arith.constant 128 : i32
        %add3A_274 = arith.addi %add3A_273, %scan3A_218 : i32
        %get3A_275 = arith.index_cast %add3A_274 : i32 to index
        %get3A_276 = arith.constant 0 : index
        %get3A_277 = tpu.vector_load %arg16[%get3A_275, %get3A_276] {strides = array<i32>} : memref<1280x32xf32, #tpu.memory_space<vmem>>, vector<16xf32>,
        %add3A_278 = arith.constant 128 : i32
        %add3A_279 = arith.addi %add3A_278, %scan3A_218 : i32
        %get3A_280 = arith.index_cast %add3A_279 : i32 to index
        %get3A_281 = arith.constant 16 : index
        %get3A_282 = tpu.vector_load %arg16[%get3A_280, %get3A_281] {strides = array<i32>} : memref<1280x32xf32, #tpu.memory_space<vmem>>, vector<16xf32>,
        %mul3A_283 = arith.mulf %get3A_220, %get3A_277 : vector<16xf32>
        %mul3A_284 = arith.mulf %get3A_223, %get3A_282 : vector<16xf32>
        %add3A_285 = arith.addf %mul3A_283, %mul3A_284 : vector<16xf32>
        %broadcast_in_dim3A_286 = arith.constant true
        %broadcast_in_dim3A_287 = vector.broadcast %broadcast_in_dim3A_286 : i1 to vector<16xi1>
        %masked_cumsum3A_288 = tpu.scan <sum>, %add3A_285 masked %broadcast_in_dim3A_287 : vector<16xf32>, vector<16xi1> -> vector<16xf32>
        %broadcast_in_dim3A_289 = arith.constant 2 : i32
        %broadcast_in_dim3A_290 = vector.broadcast %broadcast_in_dim3A_289 : i32 to vector<16xi32>
        %broadcast_in_dim3A_291 = vector.broadcast %scan3A_218 : i32 to vector<16xi32>
        tpu.vector_store_idx %arg20[%broadcast_in_dim3A_290, %broadcast_in_dim3A_291], %masked_cumsum3A_288 masked %eq3A_2 : memref<20x64xf32, #tpu.memory_space<vmem>>[vector<16xi32>, vector<16xi32>], vector<16xf32>, vector<16xi1>
        %add3A_292 = arith.constant 192 : i32
        %add3A_293 = arith.addi %add3A_292, %scan3A_218 : i32
        %get3A_294 = arith.index_cast %add3A_293 : i32 to index
        %get3A_295 = arith.constant 0 : index
        %get3A_296 = tpu.vector_load %arg16[%get3A_294, %get3A_295] {strides = array<i32>} : memref<1280x32xf32, #tpu.memory_space<vmem>>, vector<16xf32>,
        %add3A_297 = arith.constant 192 : i32
        %add3A_298 = arith.addi %add3A_297, %scan3A_218 : i32
        %get3A_299 = arith.index_cast %add3A_298 : i32 to index
        %get3A_300 = arith.constant 16 : index
        %get3A_301 = tpu.vector_load %arg16[%get3A_299, %get3A_300] {strides = array<i32>} : memref<1280x32xf32, #tpu.memory_space<vmem>>, vector<16xf32>,
        %mul3A_302 = arith.mulf %get3A_220, %get3A_296 : vector<16xf32>
        %mul3A_303 = arith.mulf %get3A_223, %get3A_301 : vector<16xf32>
        %add3A_304 = arith.addf %mul3A_302, %mul3A_303 : vector<16xf32>
        %broadcast_in_dim3A_305 = arith.constant true
        %broadcast_in_dim3A_306 = vector.broadcast %broadcast_in_dim3A_305 : i1 to vector<16xi1>
        %masked_cumsum3A_307 = tpu.scan <sum>, %add3A_304 masked %broadcast_in_dim3A_306 : vector<16xf32>, vector<16xi1> -> vector<16xf32>
        %broadcast_in_dim3A_308 = arith.constant 3 : i32
        %broadcast_in_dim3A_309 = vector.broadcast %broadcast_in_dim3A_308 : i32 to vector<16xi32>
        %broadcast_in_dim3A_310 = vector.broadcast %scan3A_218 : i32 to vector<16xi32>
        tpu.vector_store_idx %arg20[%broadcast_in_dim3A_309, %broadcast_in_dim3A_310], %masked_cumsum3A_307 masked %eq3A_2 : memref<20x64xf32, #tpu.memory_space<vmem>>[vector<16xi32>, vector<16xi32>], vector<16xf32>, vector<16xi1>
        %add3A_311 = arith.constant 256 : i32
        %add3A_312 = arith.addi %add3A_311, %scan3A_218 : i32
        %get3A_313 = arith.index_cast %add3A_312 : i32 to index
        %get3A_314 = arith.constant 0 : index
        %get3A_315 = tpu.vector_load %arg16[%get3A_313, %get3A_314] {strides = array<i32>} : memref<1280x32xf32, #tpu.memory_space<vmem>>, vector<16xf32>,
        %add3A_316 = arith.constant 256 : i32
        %add3A_317 = arith.addi %add3A_316, %scan3A_218 : i32
        %get3A_318 = arith.index_cast %add3A_317 : i32 to index
        %get3A_319 = arith.constant 16 : index
        %get3A_320 = tpu.vector_load %arg16[%get3A_318, %get3A_319] {strides = array<i32>} : memref<1280x32xf32, #tpu.memory_space<vmem>>, vector<16xf32>,
        %mul3A_321 = arith.mulf %get3A_220, %get3A_315 : vector<16xf32>
        %mul3A_322 = arith.mulf %get3A_223, %get3A_320 : vector<16xf32>
        %add3A_323 = arith.addf %mul3A_321, %mul3A_322 : vector<16xf32>
        %broadcast_in_dim3A_324 = arith.constant true
        %broadcast_in_dim3A_325 = vector.broadcast %broadcast_in_dim3A_324 : i1 to vector<16xi1>
        %masked_cumsum3A_326 = tpu.scan <sum>, %add3A_323 masked %broadcast_in_dim3A_325 : vector<16xf32>, vector<16xi1> -> vector<16xf32>
        %broadcast_in_dim3A_327 = arith.constant 4 : i32
        %broadcast_in_dim3A_328 = vector.broadcast %broadcast_in_dim3A_327 : i32 to vector<16xi32>
        %broadcast_in_dim3A_329 = vector.broadcast %scan3A_218 : i32 to vector<16xi32>
        tpu.vector_store_idx %arg20[%broadcast_in_dim3A_328, %broadcast_in_dim3A_329], %masked_cumsum3A_326 masked %eq3A_2 : memref<20x64xf32, #tpu.memory_space<vmem>>[vector<16xi32>, vector<16xi32>], vector<16xf32>, vector<16xi1>
        %add3A_330 = arith.constant 320 : i32
        %add3A_331 = arith.addi %add3A_330, %scan3A_218 : i32
        %get3A_332 = arith.index_cast %add3A_331 : i32 to index
        %get3A_333 = arith.constant 0 : index
        %get3A_334 = tpu.vector_load %arg16[%get3A_332, %get3A_333] {strides = array<i32>} : memref<1280x32xf32, #tpu.memory_space<vmem>>, vector<16xf32>,
        %add3A_335 = arith.constant 320 : i32
        %add3A_336 = arith.addi %add3A_335, %scan3A_218 : i32
        %get3A_337 = arith.index_cast %add3A_336 : i32 to index
        %get3A_338 = arith.constant 16 : index
        %get3A_339 = tpu.vector_load %arg16[%get3A_337, %get3A_338] {strides = array<i32>} : memref<1280x32xf32, #tpu.memory_space<vmem>>, vector<16xf32>,
        %mul3A_340 = arith.mulf %get3A_220, %get3A_334 : vector<16xf32>
        %mul3A_341 = arith.mulf %get3A_223, %get3A_339 : vector<16xf32>
        %add3A_342 = arith.addf %mul3A_340, %mul3A_341 : vector<16xf32>
        %broadcast_in_dim3A_343 = arith.constant true
        %broadcast_in_dim3A_344 = vector.broadcast %broadcast_in_dim3A_343 : i1 to vector<16xi1>
        %masked_cumsum3A_345 = tpu.scan <sum>, %add3A_342 masked %broadcast_in_dim3A_344 : vector<16xf32>, vector<16xi1> -> vector<16xf32>
        %broadcast_in_dim3A_346 = arith.constant 5 : i32
        %broadcast_in_dim3A_347 = vector.broadcast %broadcast_in_dim3A_346 : i32 to vector<16xi32>
        %broadcast_in_dim3A_348 = vector.broadcast %scan3A_218 : i32 to vector<16xi32>
        tpu.vector_store_idx %arg20[%broadcast_in_dim3A_347, %broadcast_in_dim3A_348], %masked_cumsum3A_345 masked %eq3A_2 : memref<20x64xf32, #tpu.memory_space<vmem>>[vector<16xi32>, vector<16xi32>], vector<16xf32>, vector<16xi1>
        %add3A_349 = arith.constant 384 : i32
        %add3A_350 = arith.addi %add3A_349, %scan3A_218 : i32
        %get3A_351 = arith.index_cast %add3A_350 : i32 to index
        %get3A_352 = arith.constant 0 : index
        %get3A_353 = tpu.vector_load %arg16[%get3A_351, %get3A_352] {strides = array<i32>} : memref<1280x32xf32, #tpu.memory_space<vmem>>, vector<16xf32>,
        %add3A_354 = arith.constant 384 : i32
        %add3A_355 = arith.addi %add3A_354, %scan3A_218 : i32
        %get3A_356 = arith.index_cast %add3A_355 : i32 to index
        %get3A_357 = arith.constant 16 : index
        %get3A_358 = tpu.vector_load %arg16[%get3A_356, %get3A_357] {strides = array<i32>} : memref<1280x32xf32, #tpu.memory_space<vmem>>, vector<16xf32>,
        %mul3A_359 = arith.mulf %get3A_220, %get3A_353 : vector<16xf32>
        %mul3A_360 = arith.mulf %get3A_223, %get3A_358 : vector<16xf32>
        %add3A_361 = arith.addf %mul3A_359, %mul3A_360 : vector<16xf32>
        %broadcast_in_dim3A_362 = arith.constant true
        %broadcast_in_dim3A_363 = vector.broadcast %broadcast_in_dim3A_362 : i1 to vector<16xi1>
        %masked_cumsum3A_364 = tpu.scan <sum>, %add3A_361 masked %broadcast_in_dim3A_363 : vector<16xf32>, vector<16xi1> -> vector<16xf32>
        %broadcast_in_dim3A_365 = arith.constant 6 : i32
        %broadcast_in_dim3A_366 = vector.broadcast %broadcast_in_dim3A_365 : i32 to vector<16xi32>
        %broadcast_in_dim3A_367 = vector.broadcast %scan3A_218 : i32 to vector<16xi32>
        tpu.vector_store_idx %arg20[%broadcast_in_dim3A_366, %broadcast_in_dim3A_367], %masked_cumsum3A_364 masked %eq3A_2 : memref<20x64xf32, #tpu.memory_space<vmem>>[vector<16xi32>, vector<16xi32>], vector<16xf32>, vector<16xi1>
        %add3A_368 = arith.constant 448 : i32
        %add3A_369 = arith.addi %add3A_368, %scan3A_218 : i32
        %get3A_370 = arith.index_cast %add3A_369 : i32 to index
        %get3A_371 = arith.constant 0 : index
        %get3A_372 = tpu.vector_load %arg16[%get3A_370, %get3A_371] {strides = array<i32>} : memref<1280x32xf32, #tpu.memory_space<vmem>>, vector<16xf32>,
        %add3A_373 = arith.constant 448 : i32
        %add3A_374 = arith.addi %add3A_373, %scan3A_218 : i32
        %get3A_375 = arith.index_cast %add3A_374 : i32 to index
        %get3A_376 = arith.constant 16 : index
        %get3A_377 = tpu.vector_load %arg16[%get3A_375, %get3A_376] {strides = array<i32>} : memref<1280x32xf32, #tpu.memory_space<vmem>>, vector<16xf32>,
        %mul3A_378 = arith.mulf %get3A_220, %get3A_372 : vector<16xf32>
        %mul3A_379 = arith.mulf %get3A_223, %get3A_377 : vector<16xf32>
        %add3A_380 = arith.addf %mul3A_378, %mul3A_379 : vector<16xf32>
        %broadcast_in_dim3A_381 = arith.constant true
        %broadcast_in_dim3A_382 = vector.broadcast %broadcast_in_dim3A_381 : i1 to vector<16xi1>
        %masked_cumsum3A_383 = tpu.scan <sum>, %add3A_380 masked %broadcast_in_dim3A_382 : vector<16xf32>, vector<16xi1> -> vector<16xf32>
        %broadcast_in_dim3A_384 = arith.constant 7 : i32
        %broadcast_in_dim3A_385 = vector.broadcast %broadcast_in_dim3A_384 : i32 to vector<16xi32>
        %broadcast_in_dim3A_386 = vector.broadcast %scan3A_218 : i32 to vector<16xi32>
        tpu.vector_store_idx %arg20[%broadcast_in_dim3A_385, %broadcast_in_dim3A_386], %masked_cumsum3A_383 masked %eq3A_2 : memref<20x64xf32, #tpu.memory_space<vmem>>[vector<16xi32>, vector<16xi32>], vector<16xf32>, vector<16xi1>
        %add3A_387 = arith.constant 512 : i32
        %add3A_388 = arith.addi %add3A_387, %scan3A_218 : i32
        %get3A_389 = arith.index_cast %add3A_388 : i32 to index
        %get3A_390 = arith.constant 0 : index
        %get3A_391 = tpu.vector_load %arg16[%get3A_389, %get3A_390] {strides = array<i32>} : memref<1280x32xf32, #tpu.memory_space<vmem>>, vector<16xf32>,
        %add3A_392 = arith.constant 512 : i32
        %add3A_393 = arith.addi %add3A_392, %scan3A_218 : i32
        %get3A_394 = arith.index_cast %add3A_393 : i32 to index
        %get3A_395 = arith.constant 16 : index
        %get3A_396 = tpu.vector_load %arg16[%get3A_394, %get3A_395] {strides = array<i32>} : memref<1280x32xf32, #tpu.memory_space<vmem>>, vector<16xf32>,
        %mul3A_397 = arith.mulf %get3A_220, %get3A_391 : vector<16xf32>
        %mul3A_398 = arith.mulf %get3A_223, %get3A_396 : vector<16xf32>
        %add3A_399 = arith.addf %mul3A_397, %mul3A_398 : vector<16xf32>
        %broadcast_in_dim3A_400 = arith.constant true
        %broadcast_in_dim3A_401 = vector.broadcast %broadcast_in_dim3A_400 : i1 to vector<16xi1>
        %masked_cumsum3A_402 = tpu.scan <sum>, %add3A_399 masked %broadcast_in_dim3A_401 : vector<16xf32>, vector<16xi1> -> vector<16xf32>
        %broadcast_in_dim3A_403 = arith.constant 8 : i32
        %broadcast_in_dim3A_404 = vector.broadcast %broadcast_in_dim3A_403 : i32 to vector<16xi32>
        %broadcast_in_dim3A_405 = vector.broadcast %scan3A_218 : i32 to vector<16xi32>
        tpu.vector_store_idx %arg20[%broadcast_in_dim3A_404, %broadcast_in_dim3A_405], %masked_cumsum3A_402 masked %eq3A_2 : memref<20x64xf32, #tpu.memory_space<vmem>>[vector<16xi32>, vector<16xi32>], vector<16xf32>, vector<16xi1>
        %add3A_406 = arith.constant 576 : i32
        %add3A_407 = arith.addi %add3A_406, %scan3A_218 : i32
        %get3A_408 = arith.index_cast %add3A_407 : i32 to index
        %get3A_409 = arith.constant 0 : index
        %get3A_410 = tpu.vector_load %arg16[%get3A_408, %get3A_409] {strides = array<i32>} : memref<1280x32xf32, #tpu.memory_space<vmem>>, vector<16xf32>,
        %add3A_411 = arith.constant 576 : i32
        %add3A_412 = arith.addi %add3A_411, %scan3A_218 : i32
        %get3A_413 = arith.index_cast %add3A_412 : i32 to index
        %get3A_414 = arith.constant 16 : index
        %get3A_415 = tpu.vector_load %arg16[%get3A_413, %get3A_414] {strides = array<i32>} : memref<1280x32xf32, #tpu.memory_space<vmem>>, vector<16xf32>,
        %mul3A_416 = arith.mulf %get3A_220, %get3A_410 : vector<16xf32>
        %mul3A_417 = arith.mulf %get3A_223, %get3A_415 : vector<16xf32>
        %add3A_418 = arith.addf %mul3A_416, %mul3A_417 : vector<16xf32>
        %broadcast_in_dim3A_419 = arith.constant true
        %broadcast_in_dim3A_420 = vector.broadcast %broadcast_in_dim3A_419 : i1 to vector<16xi1>
        %masked_cumsum3A_421 = tpu.scan <sum>, %add3A_418 masked %broadcast_in_dim3A_420 : vector<16xf32>, vector<16xi1> -> vector<16xf32>
        %broadcast_in_dim3A_422 = arith.constant 9 : i32
        %broadcast_in_dim3A_423 = vector.broadcast %broadcast_in_dim3A_422 : i32 to vector<16xi32>
        %broadcast_in_dim3A_424 = vector.broadcast %scan3A_218 : i32 to vector<16xi32>
        tpu.vector_store_idx %arg20[%broadcast_in_dim3A_423, %broadcast_in_dim3A_424], %masked_cumsum3A_421 masked %eq3A_2 : memref<20x64xf32, #tpu.memory_space<vmem>>[vector<16xi32>, vector<16xi32>], vector<16xf32>, vector<16xi1>
        %add3A_425 = arith.constant 640 : i32
        %add3A_426 = arith.addi %add3A_425, %scan3A_218 : i32
        %get3A_427 = arith.index_cast %add3A_426 : i32 to index
        %get3A_428 = arith.constant 0 : index
        %get3A_429 = tpu.vector_load %arg16[%get3A_427, %get3A_428] {strides = array<i32>} : memref<1280x32xf32, #tpu.memory_space<vmem>>, vector<16xf32>,
        %add3A_430 = arith.constant 640 : i32
        %add3A_431 = arith.addi %add3A_430, %scan3A_218 : i32
        %get3A_432 = arith.index_cast %add3A_431 : i32 to index
        %get3A_433 = arith.constant 16 : index
        %get3A_434 = tpu.vector_load %arg16[%get3A_432, %get3A_433] {strides = array<i32>} : memref<1280x32xf32, #tpu.memory_space<vmem>>, vector<16xf32>,
        %mul3A_435 = arith.mulf %get3A_220, %get3A_429 : vector<16xf32>
        %mul3A_436 = arith.mulf %get3A_223, %get3A_434 : vector<16xf32>
        %add3A_437 = arith.addf %mul3A_435, %mul3A_436 : vector<16xf32>
        %broadcast_in_dim3A_438 = arith.constant true
        %broadcast_in_dim3A_439 = vector.broadcast %broadcast_in_dim3A_438 : i1 to vector<16xi1>
        %masked_cumsum3A_440 = tpu.scan <sum>, %add3A_437 masked %broadcast_in_dim3A_439 : vector<16xf32>, vector<16xi1> -> vector<16xf32>
        %broadcast_in_dim3A_441 = arith.constant 10 : i32
        %broadcast_in_dim3A_442 = vector.broadcast %broadcast_in_dim3A_441 : i32 to vector<16xi32>
        %broadcast_in_dim3A_443 = vector.broadcast %scan3A_218 : i32 to vector<16xi32>
        tpu.vector_store_idx %arg20[%broadcast_in_dim3A_442, %broadcast_in_dim3A_443], %masked_cumsum3A_440 masked %eq3A_2 : memref<20x64xf32, #tpu.memory_space<vmem>>[vector<16xi32>, vector<16xi32>], vector<16xf32>, vector<16xi1>
        %add3A_444 = arith.constant 704 : i32
        %add3A_445 = arith.addi %add3A_444, %scan3A_218 : i32
        %get3A_446 = arith.index_cast %add3A_445 : i32 to index
        %get3A_447 = arith.constant 0 : index
        %get3A_448 = tpu.vector_load %arg16[%get3A_446, %get3A_447] {strides = array<i32>} : memref<1280x32xf32, #tpu.memory_space<vmem>>, vector<16xf32>,
        %add3A_449 = arith.constant 704 : i32
        %add3A_450 = arith.addi %add3A_449, %scan3A_218 : i32
        %get3A_451 = arith.index_cast %add3A_450 : i32 to index
        %get3A_452 = arith.constant 16 : index
        %get3A_453 = tpu.vector_load %arg16[%get3A_451, %get3A_452] {strides = array<i32>} : memref<1280x32xf32, #tpu.memory_space<vmem>>, vector<16xf32>,
        %mul3A_454 = arith.mulf %get3A_220, %get3A_448 : vector<16xf32>
        %mul3A_455 = arith.mulf %get3A_223, %get3A_453 : vector<16xf32>
        %add3A_456 = arith.addf %mul3A_454, %mul3A_455 : vector<16xf32>
        %broadcast_in_dim3A_457 = arith.constant true
        %broadcast_in_dim3A_458 = vector.broadcast %broadcast_in_dim3A_457 : i1 to vector<16xi1>
        %masked_cumsum3A_459 = tpu.scan <sum>, %add3A_456 masked %broadcast_in_dim3A_458 : vector<16xf32>, vector<16xi1> -> vector<16xf32>
        %broadcast_in_dim3A_460 = arith.constant 11 : i32
        %broadcast_in_dim3A_461 = vector.broadcast %broadcast_in_dim3A_460 : i32 to vector<16xi32>
        %broadcast_in_dim3A_462 = vector.broadcast %scan3A_218 : i32 to vector<16xi32>
        tpu.vector_store_idx %arg20[%broadcast_in_dim3A_461, %broadcast_in_dim3A_462], %masked_cumsum3A_459 masked %eq3A_2 : memref<20x64xf32, #tpu.memory_space<vmem>>[vector<16xi32>, vector<16xi32>], vector<16xf32>, vector<16xi1>
        %add3A_463 = arith.constant 768 : i32
        %add3A_464 = arith.addi %add3A_463, %scan3A_218 : i32
        %get3A_465 = arith.index_cast %add3A_464 : i32 to index
        %get3A_466 = arith.constant 0 : index
        %get3A_467 = tpu.vector_load %arg16[%get3A_465, %get3A_466] {strides = array<i32>} : memref<1280x32xf32, #tpu.memory_space<vmem>>, vector<16xf32>,
        %add3A_468 = arith.constant 768 : i32
        %add3A_469 = arith.addi %add3A_468, %scan3A_218 : i32
        %get3A_470 = arith.index_cast %add3A_469 : i32 to index
        %get3A_471 = arith.constant 16 : index
        %get3A_472 = tpu.vector_load %arg16[%get3A_470, %get3A_471] {strides = array<i32>} : memref<1280x32xf32, #tpu.memory_space<vmem>>, vector<16xf32>,
        %mul3A_473 = arith.mulf %get3A_220, %get3A_467 : vector<16xf32>
        %mul3A_474 = arith.mulf %get3A_223, %get3A_472 : vector<16xf32>
        %add3A_475 = arith.addf %mul3A_473, %mul3A_474 : vector<16xf32>
        %broadcast_in_dim3A_476 = arith.constant true
        %broadcast_in_dim3A_477 = vector.broadcast %broadcast_in_dim3A_476 : i1 to vector<16xi1>
        %masked_cumsum3A_478 = tpu.scan <sum>, %add3A_475 masked %broadcast_in_dim3A_477 : vector<16xf32>, vector<16xi1> -> vector<16xf32>
        %broadcast_in_dim3A_479 = arith.constant 12 : i32
        %broadcast_in_dim3A_480 = vector.broadcast %broadcast_in_dim3A_479 : i32 to vector<16xi32>
        %broadcast_in_dim3A_481 = vector.broadcast %scan3A_218 : i32 to vector<16xi32>
        tpu.vector_store_idx %arg20[%broadcast_in_dim3A_480, %broadcast_in_dim3A_481], %masked_cumsum3A_478 masked %eq3A_2 : memref<20x64xf32, #tpu.memory_space<vmem>>[vector<16xi32>, vector<16xi32>], vector<16xf32>, vector<16xi1>
        %add3A_482 = arith.constant 832 : i32
        %add3A_483 = arith.addi %add3A_482, %scan3A_218 : i32
        %get3A_484 = arith.index_cast %add3A_483 : i32 to index
        %get3A_485 = arith.constant 0 : index
        %get3A_486 = tpu.vector_load %arg16[%get3A_484, %get3A_485] {strides = array<i32>} : memref<1280x32xf32, #tpu.memory_space<vmem>>, vector<16xf32>,
        %add3A_487 = arith.constant 832 : i32
        %add3A_488 = arith.addi %add3A_487, %scan3A_218 : i32
        %get3A_489 = arith.index_cast %add3A_488 : i32 to index
        %get3A_490 = arith.constant 16 : index
        %get3A_491 = tpu.vector_load %arg16[%get3A_489, %get3A_490] {strides = array<i32>} : memref<1280x32xf32, #tpu.memory_space<vmem>>, vector<16xf32>,
        %mul3A_492 = arith.mulf %get3A_220, %get3A_486 : vector<16xf32>
        %mul3A_493 = arith.mulf %get3A_223, %get3A_491 : vector<16xf32>
        %add3A_494 = arith.addf %mul3A_492, %mul3A_493 : vector<16xf32>
        %broadcast_in_dim3A_495 = arith.constant true
        %broadcast_in_dim3A_496 = vector.broadcast %broadcast_in_dim3A_495 : i1 to vector<16xi1>
        %masked_cumsum3A_497 = tpu.scan <sum>, %add3A_494 masked %broadcast_in_dim3A_496 : vector<16xf32>, vector<16xi1> -> vector<16xf32>
        %broadcast_in_dim3A_498 = arith.constant 13 : i32
        %broadcast_in_dim3A_499 = vector.broadcast %broadcast_in_dim3A_498 : i32 to vector<16xi32>
        %broadcast_in_dim3A_500 = vector.broadcast %scan3A_218 : i32 to vector<16xi32>
        tpu.vector_store_idx %arg20[%broadcast_in_dim3A_499, %broadcast_in_dim3A_500], %masked_cumsum3A_497 masked %eq3A_2 : memref<20x64xf32, #tpu.memory_space<vmem>>[vector<16xi32>, vector<16xi32>], vector<16xf32>, vector<16xi1>
        %add3A_501 = arith.constant 896 : i32
        %add3A_502 = arith.addi %add3A_501, %scan3A_218 : i32
        %get3A_503 = arith.index_cast %add3A_502 : i32 to index
        %get3A_504 = arith.constant 0 : index
        %get3A_505 = tpu.vector_load %arg16[%get3A_503, %get3A_504] {strides = array<i32>} : memref<1280x32xf32, #tpu.memory_space<vmem>>, vector<16xf32>,
        %add3A_506 = arith.constant 896 : i32
        %add3A_507 = arith.addi %add3A_506, %scan3A_218 : i32
        %get3A_508 = arith.index_cast %add3A_507 : i32 to index
        %get3A_509 = arith.constant 16 : index
        %get3A_510 = tpu.vector_load %arg16[%get3A_508, %get3A_509] {strides = array<i32>} : memref<1280x32xf32, #tpu.memory_space<vmem>>, vector<16xf32>,
        %mul3A_511 = arith.mulf %get3A_220, %get3A_505 : vector<16xf32>
        %mul3A_512 = arith.mulf %get3A_223, %get3A_510 : vector<16xf32>
        %add3A_513 = arith.addf %mul3A_511, %mul3A_512 : vector<16xf32>
        %broadcast_in_dim3A_514 = arith.constant true
        %broadcast_in_dim3A_515 = vector.broadcast %broadcast_in_dim3A_514 : i1 to vector<16xi1>
        %masked_cumsum3A_516 = tpu.scan <sum>, %add3A_513 masked %broadcast_in_dim3A_515 : vector<16xf32>, vector<16xi1> -> vector<16xf32>
        %broadcast_in_dim3A_517 = arith.constant 14 : i32
        %broadcast_in_dim3A_518 = vector.broadcast %broadcast_in_dim3A_517 : i32 to vector<16xi32>
        %broadcast_in_dim3A_519 = vector.broadcast %scan3A_218 : i32 to vector<16xi32>
        tpu.vector_store_idx %arg20[%broadcast_in_dim3A_518, %broadcast_in_dim3A_519], %masked_cumsum3A_516 masked %eq3A_2 : memref<20x64xf32, #tpu.memory_space<vmem>>[vector<16xi32>, vector<16xi32>], vector<16xf32>, vector<16xi1>
        %add3A_520 = arith.constant 960 : i32
        %add3A_521 = arith.addi %add3A_520, %scan3A_218 : i32
        %get3A_522 = arith.index_cast %add3A_521 : i32 to index
        %get3A_523 = arith.constant 0 : index
        %get3A_524 = tpu.vector_load %arg16[%get3A_522, %get3A_523] {strides = array<i32>} : memref<1280x32xf32, #tpu.memory_space<vmem>>, vector<16xf32>,
        %add3A_525 = arith.constant 960 : i32
        %add3A_526 = arith.addi %add3A_525, %scan3A_218 : i32
        %get3A_527 = arith.index_cast %add3A_526 : i32 to index
        %get3A_528 = arith.constant 16 : index
        %get3A_529 = tpu.vector_load %arg16[%get3A_527, %get3A_528] {strides = array<i32>} : memref<1280x32xf32, #tpu.memory_space<vmem>>, vector<16xf32>,
        %mul3A_530 = arith.mulf %get3A_220, %get3A_524 : vector<16xf32>
        %mul3A_531 = arith.mulf %get3A_223, %get3A_529 : vector<16xf32>
        %add3A_532 = arith.addf %mul3A_530, %mul3A_531 : vector<16xf32>
        %broadcast_in_dim3A_533 = arith.constant true
        %broadcast_in_dim3A_534 = vector.broadcast %broadcast_in_dim3A_533 : i1 to vector<16xi1>
        %masked_cumsum3A_535 = tpu.scan <sum>, %add3A_532 masked %broadcast_in_dim3A_534 : vector<16xf32>, vector<16xi1> -> vector<16xf32>
        %broadcast_in_dim3A_536 = arith.constant 15 : i32
        %broadcast_in_dim3A_537 = vector.broadcast %broadcast_in_dim3A_536 : i32 to vector<16xi32>
        %broadcast_in_dim3A_538 = vector.broadcast %scan3A_218 : i32 to vector<16xi32>
        tpu.vector_store_idx %arg20[%broadcast_in_dim3A_537, %broadcast_in_dim3A_538], %masked_cumsum3A_535 masked %eq3A_2 : memref<20x64xf32, #tpu.memory_space<vmem>>[vector<16xi32>, vector<16xi32>], vector<16xf32>, vector<16xi1>
        %add3A_539 = arith.constant 1024 : i32
        %add3A_540 = arith.addi %add3A_539, %scan3A_218 : i32
        %get3A_541 = arith.index_cast %add3A_540 : i32 to index
        %get3A_542 = arith.constant 0 : index
        %get3A_543 = tpu.vector_load %arg16[%get3A_541, %get3A_542] {strides = array<i32>} : memref<1280x32xf32, #tpu.memory_space<vmem>>, vector<16xf32>,
        %add3A_544 = arith.constant 1024 : i32
        %add3A_545 = arith.addi %add3A_544, %scan3A_218 : i32
        %get3A_546 = arith.index_cast %add3A_545 : i32 to index
        %get3A_547 = arith.constant 16 : index
        %get3A_548 = tpu.vector_load %arg16[%get3A_546, %get3A_547] {strides = array<i32>} : memref<1280x32xf32, #tpu.memory_space<vmem>>, vector<16xf32>,
        %mul3A_549 = arith.mulf %get3A_220, %get3A_543 : vector<16xf32>
        %mul3A_550 = arith.mulf %get3A_223, %get3A_548 : vector<16xf32>
        %add3A_551 = arith.addf %mul3A_549, %mul3A_550 : vector<16xf32>
        %broadcast_in_dim3A_552 = arith.constant true
        %broadcast_in_dim3A_553 = vector.broadcast %broadcast_in_dim3A_552 : i1 to vector<16xi1>
        %masked_cumsum3A_554 = tpu.scan <sum>, %add3A_551 masked %broadcast_in_dim3A_553 : vector<16xf32>, vector<16xi1> -> vector<16xf32>
        %broadcast_in_dim3A_555 = arith.constant 16 : i32
        %broadcast_in_dim3A_556 = vector.broadcast %broadcast_in_dim3A_555 : i32 to vector<16xi32>
        %broadcast_in_dim3A_557 = vector.broadcast %scan3A_218 : i32 to vector<16xi32>
        tpu.vector_store_idx %arg20[%broadcast_in_dim3A_556, %broadcast_in_dim3A_557], %masked_cumsum3A_554 masked %eq3A_2 : memref<20x64xf32, #tpu.memory_space<vmem>>[vector<16xi32>, vector<16xi32>], vector<16xf32>, vector<16xi1>
        %add3A_558 = arith.constant 1088 : i32
        %add3A_559 = arith.addi %add3A_558, %scan3A_218 : i32
        %get3A_560 = arith.index_cast %add3A_559 : i32 to index
        %get3A_561 = arith.constant 0 : index
        %get3A_562 = tpu.vector_load %arg16[%get3A_560, %get3A_561] {strides = array<i32>} : memref<1280x32xf32, #tpu.memory_space<vmem>>, vector<16xf32>,
        %add3A_563 = arith.constant 1088 : i32
        %add3A_564 = arith.addi %add3A_563, %scan3A_218 : i32
        %get3A_565 = arith.index_cast %add3A_564 : i32 to index
        %get3A_566 = arith.constant 16 : index
        %get3A_567 = tpu.vector_load %arg16[%get3A_565, %get3A_566] {strides = array<i32>} : memref<1280x32xf32, #tpu.memory_space<vmem>>, vector<16xf32>,
        %mul3A_568 = arith.mulf %get3A_220, %get3A_562 : vector<16xf32>
        %mul3A_569 = arith.mulf %get3A_223, %get3A_567 : vector<16xf32>
        %add3A_570 = arith.addf %mul3A_568, %mul3A_569 : vector<16xf32>
        %broadcast_in_dim3A_571 = arith.constant true
        %broadcast_in_dim3A_572 = vector.broadcast %broadcast_in_dim3A_571 : i1 to vector<16xi1>
        %masked_cumsum3A_573 = tpu.scan <sum>, %add3A_570 masked %broadcast_in_dim3A_572 : vector<16xf32>, vector<16xi1> -> vector<16xf32>
        %broadcast_in_dim3A_574 = arith.constant 17 : i32
        %broadcast_in_dim3A_575 = vector.broadcast %broadcast_in_dim3A_574 : i32 to vector<16xi32>
        %broadcast_in_dim3A_576 = vector.broadcast %scan3A_218 : i32 to vector<16xi32>
        tpu.vector_store_idx %arg20[%broadcast_in_dim3A_575, %broadcast_in_dim3A_576], %masked_cumsum3A_573 masked %eq3A_2 : memref<20x64xf32, #tpu.memory_space<vmem>>[vector<16xi32>, vector<16xi32>], vector<16xf32>, vector<16xi1>
        %add3A_577 = arith.constant 1152 : i32
        %add3A_578 = arith.addi %add3A_577, %scan3A_218 : i32
        %get3A_579 = arith.index_cast %add3A_578 : i32 to index
        %get3A_580 = arith.constant 0 : index
        %get3A_581 = tpu.vector_load %arg16[%get3A_579, %get3A_580] {strides = array<i32>} : memref<1280x32xf32, #tpu.memory_space<vmem>>, vector<16xf32>,
        %add3A_582 = arith.constant 1152 : i32
        %add3A_583 = arith.addi %add3A_582, %scan3A_218 : i32
        %get3A_584 = arith.index_cast %add3A_583 : i32 to index
        %get3A_585 = arith.constant 16 : index
        %get3A_586 = tpu.vector_load %arg16[%get3A_584, %get3A_585] {strides = array<i32>} : memref<1280x32xf32, #tpu.memory_space<vmem>>, vector<16xf32>,
        %mul3A_587 = arith.mulf %get3A_220, %get3A_581 : vector<16xf32>
        %mul3A_588 = arith.mulf %get3A_223, %get3A_586 : vector<16xf32>
        %add3A_589 = arith.addf %mul3A_587, %mul3A_588 : vector<16xf32>
        %broadcast_in_dim3A_590 = arith.constant true
        %broadcast_in_dim3A_591 = vector.broadcast %broadcast_in_dim3A_590 : i1 to vector<16xi1>
        %masked_cumsum3A_592 = tpu.scan <sum>, %add3A_589 masked %broadcast_in_dim3A_591 : vector<16xf32>, vector<16xi1> -> vector<16xf32>
        %broadcast_in_dim3A_593 = arith.constant 18 : i32
        %broadcast_in_dim3A_594 = vector.broadcast %broadcast_in_dim3A_593 : i32 to vector<16xi32>
        %broadcast_in_dim3A_595 = vector.broadcast %scan3A_218 : i32 to vector<16xi32>
        tpu.vector_store_idx %arg20[%broadcast_in_dim3A_594, %broadcast_in_dim3A_595], %masked_cumsum3A_592 masked %eq3A_2 : memref<20x64xf32, #tpu.memory_space<vmem>>[vector<16xi32>, vector<16xi32>], vector<16xf32>, vector<16xi1>
        %add3A_596 = arith.constant 1216 : i32
        %add3A_597 = arith.addi %add3A_596, %scan3A_218 : i32
        %get3A_598 = arith.index_cast %add3A_597 : i32 to index
        %get3A_599 = arith.constant 0 : index
        %get3A_600 = tpu.vector_load %arg16[%get3A_598, %get3A_599] {strides = array<i32>} : memref<1280x32xf32, #tpu.memory_space<vmem>>, vector<16xf32>,
        %add3A_601 = arith.constant 1216 : i32
        %add3A_602 = arith.addi %add3A_601, %scan3A_218 : i32
        %get3A_603 = arith.index_cast %add3A_602 : i32 to index
        %get3A_604 = arith.constant 16 : index
        %get3A_605 = tpu.vector_load %arg16[%get3A_603, %get3A_604] {strides = array<i32>} : memref<1280x32xf32, #tpu.memory_space<vmem>>, vector<16xf32>,
        %mul3A_606 = arith.mulf %get3A_220, %get3A_600 : vector<16xf32>
        %mul3A_607 = arith.mulf %get3A_223, %get3A_605 : vector<16xf32>
        %add3A_608 = arith.addf %mul3A_606, %mul3A_607 : vector<16xf32>
        %broadcast_in_dim3A_609 = arith.constant true
        %broadcast_in_dim3A_610 = vector.broadcast %broadcast_in_dim3A_609 : i1 to vector<16xi1>
        %masked_cumsum3A_611 = tpu.scan <sum>, %add3A_608 masked %broadcast_in_dim3A_610 : vector<16xf32>, vector<16xi1> -> vector<16xf32>
        %broadcast_in_dim3A_612 = arith.constant 19 : i32
        %broadcast_in_dim3A_613 = vector.broadcast %broadcast_in_dim3A_612 : i32 to vector<16xi32>
        %broadcast_in_dim3A_614 = vector.broadcast %scan3A_218 : i32 to vector<16xi32>
        tpu.vector_store_idx %arg20[%broadcast_in_dim3A_613, %broadcast_in_dim3A_614], %masked_cumsum3A_611 masked %eq3A_2 : memref<20x64xf32, #tpu.memory_space<vmem>>[vector<16xi32>, vector<16xi32>], vector<16xf32>, vector<16xi1>
      }
      %scan3A_151 = arith.constant 64 : i32
      %gt3A = arith.constant 0 : i32
      %gt3A_152 = arith.cmpi sgt, %scan3A_99, %gt3A : i32
      %convert_element_type3A = arith.extui %gt3A_152 : i1 to i32
      %cond3A = arith.constant 0 : i32
      %cond3A_153 = arith.cmpi ne, %convert_element_type3A, %cond3A : i32
      scf.if %cond3A_153 {
        %dma_wait3A_218 = arith.constant 0 : i32
        %dma_wait3A_219 = tpu.memref_slice %arg6[%dma_wait3A_218] : memref<16384xf32, #tpu.memory_space<hbm>> -> memref<64xf32, #tpu.memory_space<hbm>>
        %dma_wait3A_220 = arith.constant 0 : i32
        %dma_wait3A_221 = tpu.memref_slice %arg6[%dma_wait3A_220] : memref<16384xf32, #tpu.memory_space<hbm>> -> memref<64xf32, #tpu.memory_space<hbm>>
        tpu.wait_dma2 semaphore(%arg26 : memref<!tpu.dma_semaphore, #tpu.memory_space<semaphore_mem>>) src(%arg18 : memref<64xf32, #tpu.memory_space<vmem>>) dst(%dma_wait3A_221 : memref<64xf32, #tpu.memory_space<hbm>>)
        %dma_wait3A_222 = arith.constant 0 : i32
        %dma_wait3A_223 = arith.constant 0 : i32
        %dma_wait3A_224 = arith.constant 0 : i32
        %dma_wait3A_225 = tpu.memref_slice %arg7[%dma_wait3A_222, %dma_wait3A_223, %dma_wait3A_224] : memref<256x20x64xf32, #tpu.memory_space<hbm>> -> memref<1x20x64xf32, #tpu.memory_space<hbm>>
        %dma_wait3A_226 = tpu.memref_squeeze %dma_wait3A_225 : memref<1x20x64xf32, #tpu.memory_space<hbm>> -> memref<20x64xf32, #tpu.memory_space<hbm>>
        %dma_wait3A_227 = arith.constant 0 : i32
        %dma_wait3A_228 = arith.constant 0 : i32
        %dma_wait3A_229 = tpu.memref_slice %arg7[%dma_wait3A_222, %dma_wait3A_227, %dma_wait3A_228] : memref<256x20x64xf32, #tpu.memory_space<hbm>> -> memref<1x20x64xf32, #tpu.memory_space<hbm>>
        %dma_wait3A_230 = tpu.memref_squeeze %dma_wait3A_229 : memref<1x20x64xf32, #tpu.memory_space<hbm>> -> memref<20x64xf32, #tpu.memory_space<hbm>>
        tpu.wait_dma2 semaphore(%arg26 : memref<!tpu.dma_semaphore, #tpu.memory_space<semaphore_mem>>) src(%arg20 : memref<20x64xf32, #tpu.memory_space<vmem>>) dst(%dma_wait3A_230 : memref<20x64xf32, #tpu.memory_space<hbm>>)
      } else {
      }
      %mul3A_154 = arith.constant 8 : i32
      %mul3A_155 = arith.muli %add3A, %mul3A_154 : i32
      %add3A_156 = arith.addi %mul3A_155, %mul3A_101 : i32
      %mul3A_157 = arith.constant 64 : i32
      %mul3A_158 = arith.muli %add3A_156, %mul3A_157 : i32
      %dma_start3A_159 = tpu.memref_slice %arg6[%mul3A_158] : memref<16384xf32, #tpu.memory_space<hbm>> -> memref<64xf32, #tpu.memory_space<hbm>>
      %dma_start3A_160 = tpu.memref_slice %arg6[%mul3A_158] : memref<16384xf32, #tpu.memory_space<hbm>> -> memref<64xf32, #tpu.memory_space<hbm>>
      tpu.enqueue_dma source(%arg18 : memref<64xf32, #tpu.memory_space<vmem>>) target(%dma_start3A_160 : memref<64xf32, #tpu.memory_space<hbm>>) target_semaphore(%arg26 : memref<!tpu.dma_semaphore, #tpu.memory_space<semaphore_mem>>)
      %mul3A_161 = arith.constant 8 : i32
      %mul3A_162 = arith.muli %add3A, %mul3A_161 : i32
      %add3A_163 = arith.addi %mul3A_162, %mul3A_101 : i32
      %dma_start3A_164 = arith.constant 0 : i32
      %dma_start3A_165 = arith.constant 0 : i32
      %dma_start3A_166 = tpu.memref_slice %arg7[%add3A_163, %dma_start3A_164, %dma_start3A_165] : memref<256x20x64xf32, #tpu.memory_space<hbm>> -> memref<1x20x64xf32, #tpu.memory_space<hbm>>
      %dma_start3A_167 = tpu.memref_squeeze %dma_start3A_166 : memref<1x20x64xf32, #tpu.memory_space<hbm>> -> memref<20x64xf32, #tpu.memory_space<hbm>>
      %dma_start3A_168 = arith.constant 0 : i32
      %dma_start3A_169 = arith.constant 0 : i32
      %dma_start3A_170 = tpu.memref_slice %arg7[%add3A_163, %dma_start3A_168, %dma_start3A_169] : memref<256x20x64xf32, #tpu.memory_space<hbm>> -> memref<1x20x64xf32, #tpu.memory_space<hbm>>
      %dma_start3A_171 = tpu.memref_squeeze %dma_start3A_170 : memref<1x20x64xf32, #tpu.memory_space<hbm>> -> memref<20x64xf32, #tpu.memory_space<hbm>>
      tpu.enqueue_dma source(%arg20 : memref<20x64xf32, #tpu.memory_space<vmem>>) target(%dma_start3A_171 : memref<20x64xf32, #tpu.memory_space<hbm>>) target_semaphore(%arg26 : memref<!tpu.dma_semaphore, #tpu.memory_space<semaphore_mem>>)
      %lt3A = arith.constant 3 : i32
      %lt3A_172 = arith.cmpi slt, %scan3A_99, %lt3A : i32
      %convert_element_type3A_173 = arith.extui %lt3A_172 : i1 to i32
      %cond3A_174 = arith.constant 0 : i32
      %cond3A_175 = arith.cmpi ne, %convert_element_type3A_173, %cond3A_174 : i32
      scf.if %cond3A_175 {
        %add3A_218 = arith.constant 2 : i32
        %add3A_219 = arith.addi %mul3A_101, %add3A_218 : i32
        %mul3A_220 = arith.constant 8 : i32
        %mul3A_221 = arith.muli %add3A, %mul3A_220 : i32
        %add3A_222 = arith.addi %mul3A_221, %add3A_219 : i32
        %dma_start3A_223 = arith.constant 0 : i32
        %dma_start3A_224 = tpu.memref_slice %arg4[%add3A_222, %dma_start3A_223] : memref<256x128xi32, #tpu.memory_space<hbm>> -> memref<1x128xi32, #tpu.memory_space<hbm>>
        %dma_start3A_225 = tpu.memref_squeeze %dma_start3A_224 : memref<1x128xi32, #tpu.memory_space<hbm>> -> memref<128xi32, #tpu.memory_space<hbm>>
        %dma_start3A_226 = arith.constant 0 : i32
        %dma_start3A_227 = tpu.memref_slice %arg4[%add3A_222, %dma_start3A_226] : memref<256x128xi32, #tpu.memory_space<hbm>> -> memref<1x128xi32, #tpu.memory_space<hbm>>
        %dma_start3A_228 = tpu.memref_squeeze %dma_start3A_227 : memref<1x128xi32, #tpu.memory_space<hbm>> -> memref<128xi32, #tpu.memory_space<hbm>>
        tpu.enqueue_dma source(%dma_start3A_228 : memref<128xi32, #tpu.memory_space<hbm>>) target(%arg8 : memref<128xi32, #tpu.memory_space<vmem>>) target_semaphore(%arg22 : memref<!tpu.dma_semaphore, #tpu.memory_space<semaphore_mem>>)
        %mul3A_229 = arith.constant 8 : i32
        %mul3A_230 = arith.muli %add3A, %mul3A_229 : i32
        %add3A_231 = arith.addi %mul3A_230, %add3A_219 : i32
        %dma_start3A_232 = arith.constant 0 : i32
        %dma_start3A_233 = tpu.memref_slice %arg5[%add3A_231, %dma_start3A_232] : memref<256x1280xi32, #tpu.memory_space<hbm>> -> memref<1x1280xi32, #tpu.memory_space<hbm>>
        %dma_start3A_234 = tpu.memref_squeeze %dma_start3A_233 : memref<1x1280xi32, #tpu.memory_space<hbm>> -> memref<1280xi32, #tpu.memory_space<hbm>>
        %dma_start3A_235 = arith.constant 0 : i32
        %dma_start3A_236 = tpu.memref_slice %arg5[%add3A_231, %dma_start3A_235] : memref<256x1280xi32, #tpu.memory_space<hbm>> -> memref<1x1280xi32, #tpu.memory_space<hbm>>
        %dma_start3A_237 = tpu.memref_squeeze %dma_start3A_236 : memref<1x1280xi32, #tpu.memory_space<hbm>> -> memref<1280xi32, #tpu.memory_space<hbm>>
        tpu.enqueue_dma source(%dma_start3A_237 : memref<1280xi32, #tpu.memory_space<hbm>>) target(%arg10 : memref<1280xi32, #tpu.memory_space<vmem>>) target_semaphore(%arg22 : memref<!tpu.dma_semaphore, #tpu.memory_space<semaphore_mem>>)
        %dma_wait3A_238 = arith.constant 0 : i32
        %dma_wait3A_239 = arith.constant 0 : i32
        %dma_wait3A_240 = tpu.memref_slice %arg4[%dma_wait3A_238, %dma_wait3A_239] : memref<256x128xi32, #tpu.memory_space<hbm>> -> memref<1x128xi32, #tpu.memory_space<hbm>>
        %dma_wait3A_241 = tpu.memref_squeeze %dma_wait3A_240 : memref<1x128xi32, #tpu.memory_space<hbm>> -> memref<128xi32, #tpu.memory_space<hbm>>
        %dma_wait3A_242 = arith.constant 0 : i32
        %dma_wait3A_243 = tpu.memref_slice %arg4[%dma_wait3A_238, %dma_wait3A_242] : memref<256x128xi32, #tpu.memory_space<hbm>> -> memref<1x128xi32, #tpu.memory_space<hbm>>
        %dma_wait3A_244 = tpu.memref_squeeze %dma_wait3A_243 : memref<1x128xi32, #tpu.memory_space<hbm>> -> memref<128xi32, #tpu.memory_space<hbm>>
        tpu.wait_dma2 semaphore(%arg22 : memref<!tpu.dma_semaphore, #tpu.memory_space<semaphore_mem>>) src(%dma_wait3A_244 : memref<128xi32, #tpu.memory_space<hbm>>) dst(%arg8 : memref<128xi32, #tpu.memory_space<vmem>>)
        %dma_wait3A_245 = arith.constant 0 : i32
        %dma_wait3A_246 = arith.constant 0 : i32
        %dma_wait3A_247 = tpu.memref_slice %arg5[%dma_wait3A_245, %dma_wait3A_246] : memref<256x1280xi32, #tpu.memory_space<hbm>> -> memref<1x1280xi32, #tpu.memory_space<hbm>>
        %dma_wait3A_248 = tpu.memref_squeeze %dma_wait3A_247 : memref<1x1280xi32, #tpu.memory_space<hbm>> -> memref<1280xi32, #tpu.memory_space<hbm>>
        %dma_wait3A_249 = arith.constant 0 : i32
        %dma_wait3A_250 = tpu.memref_slice %arg5[%dma_wait3A_245, %dma_wait3A_249] : memref<256x1280xi32, #tpu.memory_space<hbm>> -> memref<1x1280xi32, #tpu.memory_space<hbm>>
        %dma_wait3A_251 = tpu.memref_squeeze %dma_wait3A_250 : memref<1x1280xi32, #tpu.memory_space<hbm>> -> memref<1280xi32, #tpu.memory_space<hbm>>
        tpu.wait_dma2 semaphore(%arg22 : memref<!tpu.dma_semaphore, #tpu.memory_space<semaphore_mem>>) src(%dma_wait3A_251 : memref<1280xi32, #tpu.memory_space<hbm>>) dst(%arg10 : memref<1280xi32, #tpu.memory_space<vmem>>)
        %dma_start3A_252 = arith.constant 0 : i32
        %dma_start3A_253 = tpu.memref_slice %arg8[%dma_start3A_252] : memref<128xi32, #tpu.memory_space<vmem>> -> memref<64xi32, #tpu.memory_space<vmem>>
        %dma_start3A_254 = arith.constant 0 : i32
        %dma_start3A_255 = arith.constant 0 : i32
        %dma_start3A_256 = tpu.memref_slice %arg3[%dma_start3A_254, %dma_start3A_255] : memref<1000000x32xf32, #tpu.memory_space<hbm>> -> memref<1000000x32xf32, #tpu.memory_space<hbm>>
        tpu.enqueue_indirect_dma source(%dma_start3A_256 : memref<1000000x32xf32, #tpu.memory_space<hbm>>) target(%arg12 : memref<64x32xf32, #tpu.memory_space<vmem>>) offsets(%dma_start3A_253 : memref<64xi32, #tpu.memory_space<vmem>>) semaphore(%arg24 : memref<!tpu.dma_semaphore, #tpu.memory_space<semaphore_mem>>)
        %dma_start3A_257 = arith.constant 64 : i32
        %dma_start3A_258 = tpu.memref_slice %arg8[%dma_start3A_257] : memref<128xi32, #tpu.memory_space<vmem>> -> memref<64xi32, #tpu.memory_space<vmem>>
        %dma_start3A_259 = arith.constant 0 : i32
        %dma_start3A_260 = arith.constant 0 : i32
        %dma_start3A_261 = tpu.memref_slice %arg2[%dma_start3A_259, %dma_start3A_260] : memref<1000000x32xf32, #tpu.memory_space<hbm>> -> memref<1000000x32xf32, #tpu.memory_space<hbm>>
        tpu.enqueue_indirect_dma source(%dma_start3A_261 : memref<1000000x32xf32, #tpu.memory_space<hbm>>) target(%arg14 : memref<64x32xf32, #tpu.memory_space<vmem>>) offsets(%dma_start3A_258 : memref<64xi32, #tpu.memory_space<vmem>>) semaphore(%arg24 : memref<!tpu.dma_semaphore, #tpu.memory_space<semaphore_mem>>)
        %dma_start3A_262 = arith.constant 0 : i32
        %dma_start3A_263 = arith.constant 0 : i32
        %dma_start3A_264 = tpu.memref_slice %arg2[%dma_start3A_262, %dma_start3A_263] : memref<1000000x32xf32, #tpu.memory_space<hbm>> -> memref<1000000x32xf32, #tpu.memory_space<hbm>>
        tpu.enqueue_indirect_dma source(%dma_start3A_264 : memref<1000000x32xf32, #tpu.memory_space<hbm>>) target(%arg16 : memref<1280x32xf32, #tpu.memory_space<vmem>>) offsets(%arg10 : memref<1280xi32, #tpu.memory_space<vmem>>) semaphore(%arg24 : memref<!tpu.dma_semaphore, #tpu.memory_space<semaphore_mem>>)
        %add3A_265 = arith.constant 2 : i32
        %add3A_266 = arith.addi %add3A_105, %add3A_265 : i32
        %mul3A_267 = arith.constant 8 : i32
        %mul3A_268 = arith.muli %add3A, %mul3A_267 : i32
        %add3A_269 = arith.addi %mul3A_268, %add3A_266 : i32
        %dma_start3A_270 = arith.constant 0 : i32
        %dma_start3A_271 = tpu.memref_slice %arg4[%add3A_269, %dma_start3A_270] : memref<256x128xi32, #tpu.memory_space<hbm>> -> memref<1x128xi32, #tpu.memory_space<hbm>>
        %dma_start3A_272 = tpu.memref_squeeze %dma_start3A_271 : memref<1x128xi32, #tpu.memory_space<hbm>> -> memref<128xi32, #tpu.memory_space<hbm>>
        %dma_start3A_273 = arith.constant 0 : i32
        %dma_start3A_274 = tpu.memref_slice %arg4[%add3A_269, %dma_start3A_273] : memref<256x128xi32, #tpu.memory_space<hbm>> -> memref<1x128xi32, #tpu.memory_space<hbm>>
        %dma_start3A_275 = tpu.memref_squeeze %dma_start3A_274 : memref<1x128xi32, #tpu.memory_space<hbm>> -> memref<128xi32, #tpu.memory_space<hbm>>
        tpu.enqueue_dma source(%dma_start3A_275 : memref<128xi32, #tpu.memory_space<hbm>>) target(%arg9 : memref<128xi32, #tpu.memory_space<vmem>>) target_semaphore(%arg23 : memref<!tpu.dma_semaphore, #tpu.memory_space<semaphore_mem>>)
        %mul3A_276 = arith.constant 8 : i32
        %mul3A_277 = arith.muli %add3A, %mul3A_276 : i32
        %add3A_278 = arith.addi %mul3A_277, %add3A_266 : i32
        %dma_start3A_279 = arith.constant 0 : i32
        %dma_start3A_280 = tpu.memref_slice %arg5[%add3A_278, %dma_start3A_279] : memref<256x1280xi32, #tpu.memory_space<hbm>> -> memref<1x1280xi32, #tpu.memory_space<hbm>>
        %dma_start3A_281 = tpu.memref_squeeze %dma_start3A_280 : memref<1x1280xi32, #tpu.memory_space<hbm>> -> memref<1280xi32, #tpu.memory_space<hbm>>
        %dma_start3A_282 = arith.constant 0 : i32
        %dma_start3A_283 = tpu.memref_slice %arg5[%add3A_278, %dma_start3A_282] : memref<256x1280xi32, #tpu.memory_space<hbm>> -> memref<1x1280xi32, #tpu.memory_space<hbm>>
        %dma_start3A_284 = tpu.memref_squeeze %dma_start3A_283 : memref<1x1280xi32, #tpu.memory_space<hbm>> -> memref<1280xi32, #tpu.memory_space<hbm>>
        tpu.enqueue_dma source(%dma_start3A_284 : memref<1280xi32, #tpu.memory_space<hbm>>) target(%arg11 : memref<1280xi32, #tpu.memory_space<vmem>>) target_semaphore(%arg23 : memref<!tpu.dma_semaphore, #tpu.memory_space<semaphore_mem>>)
      } else {
      }
      %dma_wait3A_176 = arith.constant 0 : i32
      %dma_wait3A_177 = tpu.memref_slice %arg8[%dma_wait3A_176] : memref<128xi32, #tpu.memory_space<vmem>> -> memref<64xi32, #tpu.memory_space<vmem>>
      %dma_wait3A_178 = arith.constant 0 : i32
      %dma_wait3A_179 = arith.constant 0 : i32
      %dma_wait3A_180 = tpu.memref_slice %arg3[%dma_wait3A_178, %dma_wait3A_179] : memref<1000000x32xf32, #tpu.memory_space<hbm>> -> memref<1000000x32xf32, #tpu.memory_space<hbm>>
      tpu.wait_indirect_dma semaphore(%arg25 : memref<!tpu.dma_semaphore, #tpu.memory_space<semaphore_mem>>) src(%dma_wait3A_180 : memref<1000000x32xf32, #tpu.memory_space<hbm>>) dst(%arg13 : memref<64x32xf32, #tpu.memory_space<vmem>>)
      %dma_wait3A_181 = arith.constant 0 : i32
      %dma_wait3A_182 = tpu.memref_slice %arg8[%dma_wait3A_181] : memref<128xi32, #tpu.memory_space<vmem>> -> memref<64xi32, #tpu.memory_space<vmem>>
      %dma_wait3A_183 = arith.constant 0 : i32
      %dma_wait3A_184 = arith.constant 0 : i32
      %dma_wait3A_185 = tpu.memref_slice %arg3[%dma_wait3A_183, %dma_wait3A_184] : memref<1000000x32xf32, #tpu.memory_space<hbm>> -> memref<1000000x32xf32, #tpu.memory_space<hbm>>
      tpu.wait_indirect_dma semaphore(%arg25 : memref<!tpu.dma_semaphore, #tpu.memory_space<semaphore_mem>>) src(%dma_wait3A_185 : memref<1000000x32xf32, #tpu.memory_space<hbm>>) dst(%arg15 : memref<64x32xf32, #tpu.memory_space<vmem>>)
      %dma_wait3A_186 = arith.constant 0 : i32
      %dma_wait3A_187 = arith.constant 0 : i32
      %dma_wait3A_188 = tpu.memref_slice %arg2[%dma_wait3A_186, %dma_wait3A_187] : memref<1000000x32xf32, #tpu.memory_space<hbm>> -> memref<1000000x32xf32, #tpu.memory_space<hbm>>
      tpu.wait_indirect_dma semaphore(%arg25 : memref<!tpu.dma_semaphore, #tpu.memory_space<semaphore_mem>>) src(%dma_wait3A_188 : memref<1000000x32xf32, #tpu.memory_space<hbm>>) dst(%arg17 : memref<1280x32xf32, #tpu.memory_space<vmem>>)
      %scan3A_189 = arith.constant 0 : i32
      %scan3A_190 = arith.constant 0 : i32
      %scan3A_191 = arith.constant 64 : i32
      %scan3A_192 = arith.addi %scan3A_190, %scan3A_191 : i32
      %scan3A_193 = arith.constant 1 : i32
      scf.for %scan3A_218 = %scan3A_190 to %scan3A_192 step %scan3A_193  : i32 {
        %get3A = arith.index_cast %scan3A_218 : i32 to index
        %get3A_219 = arith.constant 0 : index
        %get3A_220 = tpu.vector_load %arg13[%get3A, %get3A_219] {strides = array<i32>} : memref<64x32xf32, #tpu.memory_space<vmem>>, vector<16xf32>,
        %get3A_221 = arith.index_cast %scan3A_218 : i32 to index
        %get3A_222 = arith.constant 16 : index
        %get3A_223 = tpu.vector_load %arg13[%get3A_221, %get3A_222] {strides = array<i32>} : memref<64x32xf32, #tpu.memory_space<vmem>>, vector<16xf32>,
        %get3A_224 = arith.index_cast %scan3A_218 : i32 to index
        %get3A_225 = arith.constant 0 : index
        %get3A_226 = tpu.vector_load %arg15[%get3A_224, %get3A_225] {strides = array<i32>} : memref<64x32xf32, #tpu.memory_space<vmem>>, vector<16xf32>,
        %get3A_227 = arith.index_cast %scan3A_218 : i32 to index
        %get3A_228 = arith.constant 16 : index
        %get3A_229 = tpu.vector_load %arg15[%get3A_227, %get3A_228] {strides = array<i32>} : memref<64x32xf32, #tpu.memory_space<vmem>>, vector<16xf32>,
        %mul3A_230 = arith.mulf %get3A_220, %get3A_226 : vector<16xf32>
        %mul3A_231 = arith.mulf %get3A_223, %get3A_229 : vector<16xf32>
        %add3A_232 = arith.addf %mul3A_230, %mul3A_231 : vector<16xf32>
        %broadcast_in_dim3A = arith.constant true
        %broadcast_in_dim3A_233 = vector.broadcast %broadcast_in_dim3A : i1 to vector<16xi1>
        %masked_cumsum3A = tpu.scan <sum>, %add3A_232 masked %broadcast_in_dim3A_233 : vector<16xf32>, vector<16xi1> -> vector<16xf32>
        %broadcast_in_dim3A_234 = vector.broadcast %scan3A_218 : i32 to vector<16xi32>
        tpu.vector_store_idx %arg19[%broadcast_in_dim3A_234], %masked_cumsum3A masked %eq3A_2 : memref<64xf32, #tpu.memory_space<vmem>>[vector<16xi32>], vector<16xf32>, vector<16xi1>
        %add3A_235 = arith.constant 0 : i32
        %add3A_236 = arith.addi %add3A_235, %scan3A_218 : i32
        %get3A_237 = arith.index_cast %add3A_236 : i32 to index
        %get3A_238 = arith.constant 0 : index
        %get3A_239 = tpu.vector_load %arg17[%get3A_237, %get3A_238] {strides = array<i32>} : memref<1280x32xf32, #tpu.memory_space<vmem>>, vector<16xf32>,
        %add3A_240 = arith.constant 0 : i32
        %add3A_241 = arith.addi %add3A_240, %scan3A_218 : i32
        %get3A_242 = arith.index_cast %add3A_241 : i32 to index
        %get3A_243 = arith.constant 16 : index
        %get3A_244 = tpu.vector_load %arg17[%get3A_242, %get3A_243] {strides = array<i32>} : memref<1280x32xf32, #tpu.memory_space<vmem>>, vector<16xf32>,
        %mul3A_245 = arith.mulf %get3A_220, %get3A_239 : vector<16xf32>
        %mul3A_246 = arith.mulf %get3A_223, %get3A_244 : vector<16xf32>
        %add3A_247 = arith.addf %mul3A_245, %mul3A_246 : vector<16xf32>
        %broadcast_in_dim3A_248 = arith.constant true
        %broadcast_in_dim3A_249 = vector.broadcast %broadcast_in_dim3A_248 : i1 to vector<16xi1>
        %masked_cumsum3A_250 = tpu.scan <sum>, %add3A_247 masked %broadcast_in_dim3A_249 : vector<16xf32>, vector<16xi1> -> vector<16xf32>
        %broadcast_in_dim3A_251 = arith.constant 0 : i32
        %broadcast_in_dim3A_252 = vector.broadcast %broadcast_in_dim3A_251 : i32 to vector<16xi32>
        %broadcast_in_dim3A_253 = vector.broadcast %scan3A_218 : i32 to vector<16xi32>
        tpu.vector_store_idx %arg21[%broadcast_in_dim3A_252, %broadcast_in_dim3A_253], %masked_cumsum3A_250 masked %eq3A_2 : memref<20x64xf32, #tpu.memory_space<vmem>>[vector<16xi32>, vector<16xi32>], vector<16xf32>, vector<16xi1>
        %add3A_254 = arith.constant 64 : i32
        %add3A_255 = arith.addi %add3A_254, %scan3A_218 : i32
        %get3A_256 = arith.index_cast %add3A_255 : i32 to index
        %get3A_257 = arith.constant 0 : index
        %get3A_258 = tpu.vector_load %arg17[%get3A_256, %get3A_257] {strides = array<i32>} : memref<1280x32xf32, #tpu.memory_space<vmem>>, vector<16xf32>,
        %add3A_259 = arith.constant 64 : i32
        %add3A_260 = arith.addi %add3A_259, %scan3A_218 : i32
        %get3A_261 = arith.index_cast %add3A_260 : i32 to index
        %get3A_262 = arith.constant 16 : index
        %get3A_263 = tpu.vector_load %arg17[%get3A_261, %get3A_262] {strides = array<i32>} : memref<1280x32xf32, #tpu.memory_space<vmem>>, vector<16xf32>,
        %mul3A_264 = arith.mulf %get3A_220, %get3A_258 : vector<16xf32>
        %mul3A_265 = arith.mulf %get3A_223, %get3A_263 : vector<16xf32>
        %add3A_266 = arith.addf %mul3A_264, %mul3A_265 : vector<16xf32>
        %broadcast_in_dim3A_267 = arith.constant true
        %broadcast_in_dim3A_268 = vector.broadcast %broadcast_in_dim3A_267 : i1 to vector<16xi1>
        %masked_cumsum3A_269 = tpu.scan <sum>, %add3A_266 masked %broadcast_in_dim3A_268 : vector<16xf32>, vector<16xi1> -> vector<16xf32>
        %broadcast_in_dim3A_270 = arith.constant 1 : i32
        %broadcast_in_dim3A_271 = vector.broadcast %broadcast_in_dim3A_270 : i32 to vector<16xi32>
        %broadcast_in_dim3A_272 = vector.broadcast %scan3A_218 : i32 to vector<16xi32>
        tpu.vector_store_idx %arg21[%broadcast_in_dim3A_271, %broadcast_in_dim3A_272], %masked_cumsum3A_269 masked %eq3A_2 : memref<20x64xf32, #tpu.memory_space<vmem>>[vector<16xi32>, vector<16xi32>], vector<16xf32>, vector<16xi1>
        %add3A_273 = arith.constant 128 : i32
        %add3A_274 = arith.addi %add3A_273, %scan3A_218 : i32
        %get3A_275 = arith.index_cast %add3A_274 : i32 to index
        %get3A_276 = arith.constant 0 : index
        %get3A_277 = tpu.vector_load %arg17[%get3A_275, %get3A_276] {strides = array<i32>} : memref<1280x32xf32, #tpu.memory_space<vmem>>, vector<16xf32>,
        %add3A_278 = arith.constant 128 : i32
        %add3A_279 = arith.addi %add3A_278, %scan3A_218 : i32
        %get3A_280 = arith.index_cast %add3A_279 : i32 to index
        %get3A_281 = arith.constant 16 : index
        %get3A_282 = tpu.vector_load %arg17[%get3A_280, %get3A_281] {strides = array<i32>} : memref<1280x32xf32, #tpu.memory_space<vmem>>, vector<16xf32>,
        %mul3A_283 = arith.mulf %get3A_220, %get3A_277 : vector<16xf32>
        %mul3A_284 = arith.mulf %get3A_223, %get3A_282 : vector<16xf32>
        %add3A_285 = arith.addf %mul3A_283, %mul3A_284 : vector<16xf32>
        %broadcast_in_dim3A_286 = arith.constant true
        %broadcast_in_dim3A_287 = vector.broadcast %broadcast_in_dim3A_286 : i1 to vector<16xi1>
        %masked_cumsum3A_288 = tpu.scan <sum>, %add3A_285 masked %broadcast_in_dim3A_287 : vector<16xf32>, vector<16xi1> -> vector<16xf32>
        %broadcast_in_dim3A_289 = arith.constant 2 : i32
        %broadcast_in_dim3A_290 = vector.broadcast %broadcast_in_dim3A_289 : i32 to vector<16xi32>
        %broadcast_in_dim3A_291 = vector.broadcast %scan3A_218 : i32 to vector<16xi32>
        tpu.vector_store_idx %arg21[%broadcast_in_dim3A_290, %broadcast_in_dim3A_291], %masked_cumsum3A_288 masked %eq3A_2 : memref<20x64xf32, #tpu.memory_space<vmem>>[vector<16xi32>, vector<16xi32>], vector<16xf32>, vector<16xi1>
        %add3A_292 = arith.constant 192 : i32
        %add3A_293 = arith.addi %add3A_292, %scan3A_218 : i32
        %get3A_294 = arith.index_cast %add3A_293 : i32 to index
        %get3A_295 = arith.constant 0 : index
        %get3A_296 = tpu.vector_load %arg17[%get3A_294, %get3A_295] {strides = array<i32>} : memref<1280x32xf32, #tpu.memory_space<vmem>>, vector<16xf32>,
        %add3A_297 = arith.constant 192 : i32
        %add3A_298 = arith.addi %add3A_297, %scan3A_218 : i32
        %get3A_299 = arith.index_cast %add3A_298 : i32 to index
        %get3A_300 = arith.constant 16 : index
        %get3A_301 = tpu.vector_load %arg17[%get3A_299, %get3A_300] {strides = array<i32>} : memref<1280x32xf32, #tpu.memory_space<vmem>>, vector<16xf32>,
        %mul3A_302 = arith.mulf %get3A_220, %get3A_296 : vector<16xf32>
        %mul3A_303 = arith.mulf %get3A_223, %get3A_301 : vector<16xf32>
        %add3A_304 = arith.addf %mul3A_302, %mul3A_303 : vector<16xf32>
        %broadcast_in_dim3A_305 = arith.constant true
        %broadcast_in_dim3A_306 = vector.broadcast %broadcast_in_dim3A_305 : i1 to vector<16xi1>
        %masked_cumsum3A_307 = tpu.scan <sum>, %add3A_304 masked %broadcast_in_dim3A_306 : vector<16xf32>, vector<16xi1> -> vector<16xf32>
        %broadcast_in_dim3A_308 = arith.constant 3 : i32
        %broadcast_in_dim3A_309 = vector.broadcast %broadcast_in_dim3A_308 : i32 to vector<16xi32>
        %broadcast_in_dim3A_310 = vector.broadcast %scan3A_218 : i32 to vector<16xi32>
        tpu.vector_store_idx %arg21[%broadcast_in_dim3A_309, %broadcast_in_dim3A_310], %masked_cumsum3A_307 masked %eq3A_2 : memref<20x64xf32, #tpu.memory_space<vmem>>[vector<16xi32>, vector<16xi32>], vector<16xf32>, vector<16xi1>
        %add3A_311 = arith.constant 256 : i32
        %add3A_312 = arith.addi %add3A_311, %scan3A_218 : i32
        %get3A_313 = arith.index_cast %add3A_312 : i32 to index
        %get3A_314 = arith.constant 0 : index
        %get3A_315 = tpu.vector_load %arg17[%get3A_313, %get3A_314] {strides = array<i32>} : memref<1280x32xf32, #tpu.memory_space<vmem>>, vector<16xf32>,
        %add3A_316 = arith.constant 256 : i32
        %add3A_317 = arith.addi %add3A_316, %scan3A_218 : i32
        %get3A_318 = arith.index_cast %add3A_317 : i32 to index
        %get3A_319 = arith.constant 16 : index
        %get3A_320 = tpu.vector_load %arg17[%get3A_318, %get3A_319] {strides = array<i32>} : memref<1280x32xf32, #tpu.memory_space<vmem>>, vector<16xf32>,
        %mul3A_321 = arith.mulf %get3A_220, %get3A_315 : vector<16xf32>
        %mul3A_322 = arith.mulf %get3A_223, %get3A_320 : vector<16xf32>
        %add3A_323 = arith.addf %mul3A_321, %mul3A_322 : vector<16xf32>
        %broadcast_in_dim3A_324 = arith.constant true
        %broadcast_in_dim3A_325 = vector.broadcast %broadcast_in_dim3A_324 : i1 to vector<16xi1>
        %masked_cumsum3A_326 = tpu.scan <sum>, %add3A_323 masked %broadcast_in_dim3A_325 : vector<16xf32>, vector<16xi1> -> vector<16xf32>
        %broadcast_in_dim3A_327 = arith.constant 4 : i32
        %broadcast_in_dim3A_328 = vector.broadcast %broadcast_in_dim3A_327 : i32 to vector<16xi32>
        %broadcast_in_dim3A_329 = vector.broadcast %scan3A_218 : i32 to vector<16xi32>
        tpu.vector_store_idx %arg21[%broadcast_in_dim3A_328, %broadcast_in_dim3A_329], %masked_cumsum3A_326 masked %eq3A_2 : memref<20x64xf32, #tpu.memory_space<vmem>>[vector<16xi32>, vector<16xi32>], vector<16xf32>, vector<16xi1>
        %add3A_330 = arith.constant 320 : i32
        %add3A_331 = arith.addi %add3A_330, %scan3A_218 : i32
        %get3A_332 = arith.index_cast %add3A_331 : i32 to index
        %get3A_333 = arith.constant 0 : index
        %get3A_334 = tpu.vector_load %arg17[%get3A_332, %get3A_333] {strides = array<i32>} : memref<1280x32xf32, #tpu.memory_space<vmem>>, vector<16xf32>,
        %add3A_335 = arith.constant 320 : i32
        %add3A_336 = arith.addi %add3A_335, %scan3A_218 : i32
        %get3A_337 = arith.index_cast %add3A_336 : i32 to index
        %get3A_338 = arith.constant 16 : index
        %get3A_339 = tpu.vector_load %arg17[%get3A_337, %get3A_338] {strides = array<i32>} : memref<1280x32xf32, #tpu.memory_space<vmem>>, vector<16xf32>,
        %mul3A_340 = arith.mulf %get3A_220, %get3A_334 : vector<16xf32>
        %mul3A_341 = arith.mulf %get3A_223, %get3A_339 : vector<16xf32>
        %add3A_342 = arith.addf %mul3A_340, %mul3A_341 : vector<16xf32>
        %broadcast_in_dim3A_343 = arith.constant true
        %broadcast_in_dim3A_344 = vector.broadcast %broadcast_in_dim3A_343 : i1 to vector<16xi1>
        %masked_cumsum3A_345 = tpu.scan <sum>, %add3A_342 masked %broadcast_in_dim3A_344 : vector<16xf32>, vector<16xi1> -> vector<16xf32>
        %broadcast_in_dim3A_346 = arith.constant 5 : i32
        %broadcast_in_dim3A_347 = vector.broadcast %broadcast_in_dim3A_346 : i32 to vector<16xi32>
        %broadcast_in_dim3A_348 = vector.broadcast %scan3A_218 : i32 to vector<16xi32>
        tpu.vector_store_idx %arg21[%broadcast_in_dim3A_347, %broadcast_in_dim3A_348], %masked_cumsum3A_345 masked %eq3A_2 : memref<20x64xf32, #tpu.memory_space<vmem>>[vector<16xi32>, vector<16xi32>], vector<16xf32>, vector<16xi1>
        %add3A_349 = arith.constant 384 : i32
        %add3A_350 = arith.addi %add3A_349, %scan3A_218 : i32
        %get3A_351 = arith.index_cast %add3A_350 : i32 to index
        %get3A_352 = arith.constant 0 : index
        %get3A_353 = tpu.vector_load %arg17[%get3A_351, %get3A_352] {strides = array<i32>} : memref<1280x32xf32, #tpu.memory_space<vmem>>, vector<16xf32>,
        %add3A_354 = arith.constant 384 : i32
        %add3A_355 = arith.addi %add3A_354, %scan3A_218 : i32
        %get3A_356 = arith.index_cast %add3A_355 : i32 to index
        %get3A_357 = arith.constant 16 : index
        %get3A_358 = tpu.vector_load %arg17[%get3A_356, %get3A_357] {strides = array<i32>} : memref<1280x32xf32, #tpu.memory_space<vmem>>, vector<16xf32>,
        %mul3A_359 = arith.mulf %get3A_220, %get3A_353 : vector<16xf32>
        %mul3A_360 = arith.mulf %get3A_223, %get3A_358 : vector<16xf32>
        %add3A_361 = arith.addf %mul3A_359, %mul3A_360 : vector<16xf32>
        %broadcast_in_dim3A_362 = arith.constant true
        %broadcast_in_dim3A_363 = vector.broadcast %broadcast_in_dim3A_362 : i1 to vector<16xi1>
        %masked_cumsum3A_364 = tpu.scan <sum>, %add3A_361 masked %broadcast_in_dim3A_363 : vector<16xf32>, vector<16xi1> -> vector<16xf32>
        %broadcast_in_dim3A_365 = arith.constant 6 : i32
        %broadcast_in_dim3A_366 = vector.broadcast %broadcast_in_dim3A_365 : i32 to vector<16xi32>
        %broadcast_in_dim3A_367 = vector.broadcast %scan3A_218 : i32 to vector<16xi32>
        tpu.vector_store_idx %arg21[%broadcast_in_dim3A_366, %broadcast_in_dim3A_367], %masked_cumsum3A_364 masked %eq3A_2 : memref<20x64xf32, #tpu.memory_space<vmem>>[vector<16xi32>, vector<16xi32>], vector<16xf32>, vector<16xi1>
        %add3A_368 = arith.constant 448 : i32
        %add3A_369 = arith.addi %add3A_368, %scan3A_218 : i32
        %get3A_370 = arith.index_cast %add3A_369 : i32 to index
        %get3A_371 = arith.constant 0 : index
        %get3A_372 = tpu.vector_load %arg17[%get3A_370, %get3A_371] {strides = array<i32>} : memref<1280x32xf32, #tpu.memory_space<vmem>>, vector<16xf32>,
        %add3A_373 = arith.constant 448 : i32
        %add3A_374 = arith.addi %add3A_373, %scan3A_218 : i32
        %get3A_375 = arith.index_cast %add3A_374 : i32 to index
        %get3A_376 = arith.constant 16 : index
        %get3A_377 = tpu.vector_load %arg17[%get3A_375, %get3A_376] {strides = array<i32>} : memref<1280x32xf32, #tpu.memory_space<vmem>>, vector<16xf32>,
        %mul3A_378 = arith.mulf %get3A_220, %get3A_372 : vector<16xf32>
        %mul3A_379 = arith.mulf %get3A_223, %get3A_377 : vector<16xf32>
        %add3A_380 = arith.addf %mul3A_378, %mul3A_379 : vector<16xf32>
        %broadcast_in_dim3A_381 = arith.constant true
        %broadcast_in_dim3A_382 = vector.broadcast %broadcast_in_dim3A_381 : i1 to vector<16xi1>
        %masked_cumsum3A_383 = tpu.scan <sum>, %add3A_380 masked %broadcast_in_dim3A_382 : vector<16xf32>, vector<16xi1> -> vector<16xf32>
        %broadcast_in_dim3A_384 = arith.constant 7 : i32
        %broadcast_in_dim3A_385 = vector.broadcast %broadcast_in_dim3A_384 : i32 to vector<16xi32>
        %broadcast_in_dim3A_386 = vector.broadcast %scan3A_218 : i32 to vector<16xi32>
        tpu.vector_store_idx %arg21[%broadcast_in_dim3A_385, %broadcast_in_dim3A_386], %masked_cumsum3A_383 masked %eq3A_2 : memref<20x64xf32, #tpu.memory_space<vmem>>[vector<16xi32>, vector<16xi32>], vector<16xf32>, vector<16xi1>
        %add3A_387 = arith.constant 512 : i32
        %add3A_388 = arith.addi %add3A_387, %scan3A_218 : i32
        %get3A_389 = arith.index_cast %add3A_388 : i32 to index
        %get3A_390 = arith.constant 0 : index
        %get3A_391 = tpu.vector_load %arg17[%get3A_389, %get3A_390] {strides = array<i32>} : memref<1280x32xf32, #tpu.memory_space<vmem>>, vector<16xf32>,
        %add3A_392 = arith.constant 512 : i32
        %add3A_393 = arith.addi %add3A_392, %scan3A_218 : i32
        %get3A_394 = arith.index_cast %add3A_393 : i32 to index
        %get3A_395 = arith.constant 16 : index
        %get3A_396 = tpu.vector_load %arg17[%get3A_394, %get3A_395] {strides = array<i32>} : memref<1280x32xf32, #tpu.memory_space<vmem>>, vector<16xf32>,
        %mul3A_397 = arith.mulf %get3A_220, %get3A_391 : vector<16xf32>
        %mul3A_398 = arith.mulf %get3A_223, %get3A_396 : vector<16xf32>
        %add3A_399 = arith.addf %mul3A_397, %mul3A_398 : vector<16xf32>
        %broadcast_in_dim3A_400 = arith.constant true
        %broadcast_in_dim3A_401 = vector.broadcast %broadcast_in_dim3A_400 : i1 to vector<16xi1>
        %masked_cumsum3A_402 = tpu.scan <sum>, %add3A_399 masked %broadcast_in_dim3A_401 : vector<16xf32>, vector<16xi1> -> vector<16xf32>
        %broadcast_in_dim3A_403 = arith.constant 8 : i32
        %broadcast_in_dim3A_404 = vector.broadcast %broadcast_in_dim3A_403 : i32 to vector<16xi32>
        %broadcast_in_dim3A_405 = vector.broadcast %scan3A_218 : i32 to vector<16xi32>
        tpu.vector_store_idx %arg21[%broadcast_in_dim3A_404, %broadcast_in_dim3A_405], %masked_cumsum3A_402 masked %eq3A_2 : memref<20x64xf32, #tpu.memory_space<vmem>>[vector<16xi32>, vector<16xi32>], vector<16xf32>, vector<16xi1>
        %add3A_406 = arith.constant 576 : i32
        %add3A_407 = arith.addi %add3A_406, %scan3A_218 : i32
        %get3A_408 = arith.index_cast %add3A_407 : i32 to index
        %get3A_409 = arith.constant 0 : index
        %get3A_410 = tpu.vector_load %arg17[%get3A_408, %get3A_409] {strides = array<i32>} : memref<1280x32xf32, #tpu.memory_space<vmem>>, vector<16xf32>,
        %add3A_411 = arith.constant 576 : i32
        %add3A_412 = arith.addi %add3A_411, %scan3A_218 : i32
        %get3A_413 = arith.index_cast %add3A_412 : i32 to index
        %get3A_414 = arith.constant 16 : index
        %get3A_415 = tpu.vector_load %arg17[%get3A_413, %get3A_414] {strides = array<i32>} : memref<1280x32xf32, #tpu.memory_space<vmem>>, vector<16xf32>,
        %mul3A_416 = arith.mulf %get3A_220, %get3A_410 : vector<16xf32>
        %mul3A_417 = arith.mulf %get3A_223, %get3A_415 : vector<16xf32>
        %add3A_418 = arith.addf %mul3A_416, %mul3A_417 : vector<16xf32>
        %broadcast_in_dim3A_419 = arith.constant true
        %broadcast_in_dim3A_420 = vector.broadcast %broadcast_in_dim3A_419 : i1 to vector<16xi1>
        %masked_cumsum3A_421 = tpu.scan <sum>, %add3A_418 masked %broadcast_in_dim3A_420 : vector<16xf32>, vector<16xi1> -> vector<16xf32>
        %broadcast_in_dim3A_422 = arith.constant 9 : i32
        %broadcast_in_dim3A_423 = vector.broadcast %broadcast_in_dim3A_422 : i32 to vector<16xi32>
        %broadcast_in_dim3A_424 = vector.broadcast %scan3A_218 : i32 to vector<16xi32>
        tpu.vector_store_idx %arg21[%broadcast_in_dim3A_423, %broadcast_in_dim3A_424], %masked_cumsum3A_421 masked %eq3A_2 : memref<20x64xf32, #tpu.memory_space<vmem>>[vector<16xi32>, vector<16xi32>], vector<16xf32>, vector<16xi1>
        %add3A_425 = arith.constant 640 : i32
        %add3A_426 = arith.addi %add3A_425, %scan3A_218 : i32
        %get3A_427 = arith.index_cast %add3A_426 : i32 to index
        %get3A_428 = arith.constant 0 : index
        %get3A_429 = tpu.vector_load %arg17[%get3A_427, %get3A_428] {strides = array<i32>} : memref<1280x32xf32, #tpu.memory_space<vmem>>, vector<16xf32>,
        %add3A_430 = arith.constant 640 : i32
        %add3A_431 = arith.addi %add3A_430, %scan3A_218 : i32
        %get3A_432 = arith.index_cast %add3A_431 : i32 to index
        %get3A_433 = arith.constant 16 : index
        %get3A_434 = tpu.vector_load %arg17[%get3A_432, %get3A_433] {strides = array<i32>} : memref<1280x32xf32, #tpu.memory_space<vmem>>, vector<16xf32>,
        %mul3A_435 = arith.mulf %get3A_220, %get3A_429 : vector<16xf32>
        %mul3A_436 = arith.mulf %get3A_223, %get3A_434 : vector<16xf32>
        %add3A_437 = arith.addf %mul3A_435, %mul3A_436 : vector<16xf32>
        %broadcast_in_dim3A_438 = arith.constant true
        %broadcast_in_dim3A_439 = vector.broadcast %broadcast_in_dim3A_438 : i1 to vector<16xi1>
        %masked_cumsum3A_440 = tpu.scan <sum>, %add3A_437 masked %broadcast_in_dim3A_439 : vector<16xf32>, vector<16xi1> -> vector<16xf32>
        %broadcast_in_dim3A_441 = arith.constant 10 : i32
        %broadcast_in_dim3A_442 = vector.broadcast %broadcast_in_dim3A_441 : i32 to vector<16xi32>
        %broadcast_in_dim3A_443 = vector.broadcast %scan3A_218 : i32 to vector<16xi32>
        tpu.vector_store_idx %arg21[%broadcast_in_dim3A_442, %broadcast_in_dim3A_443], %masked_cumsum3A_440 masked %eq3A_2 : memref<20x64xf32, #tpu.memory_space<vmem>>[vector<16xi32>, vector<16xi32>], vector<16xf32>, vector<16xi1>
        %add3A_444 = arith.constant 704 : i32
        %add3A_445 = arith.addi %add3A_444, %scan3A_218 : i32
        %get3A_446 = arith.index_cast %add3A_445 : i32 to index
        %get3A_447 = arith.constant 0 : index
        %get3A_448 = tpu.vector_load %arg17[%get3A_446, %get3A_447] {strides = array<i32>} : memref<1280x32xf32, #tpu.memory_space<vmem>>, vector<16xf32>,
        %add3A_449 = arith.constant 704 : i32
        %add3A_450 = arith.addi %add3A_449, %scan3A_218 : i32
        %get3A_451 = arith.index_cast %add3A_450 : i32 to index
        %get3A_452 = arith.constant 16 : index
        %get3A_453 = tpu.vector_load %arg17[%get3A_451, %get3A_452] {strides = array<i32>} : memref<1280x32xf32, #tpu.memory_space<vmem>>, vector<16xf32>,
        %mul3A_454 = arith.mulf %get3A_220, %get3A_448 : vector<16xf32>
        %mul3A_455 = arith.mulf %get3A_223, %get3A_453 : vector<16xf32>
        %add3A_456 = arith.addf %mul3A_454, %mul3A_455 : vector<16xf32>
        %broadcast_in_dim3A_457 = arith.constant true
        %broadcast_in_dim3A_458 = vector.broadcast %broadcast_in_dim3A_457 : i1 to vector<16xi1>
        %masked_cumsum3A_459 = tpu.scan <sum>, %add3A_456 masked %broadcast_in_dim3A_458 : vector<16xf32>, vector<16xi1> -> vector<16xf32>
        %broadcast_in_dim3A_460 = arith.constant 11 : i32
        %broadcast_in_dim3A_461 = vector.broadcast %broadcast_in_dim3A_460 : i32 to vector<16xi32>
        %broadcast_in_dim3A_462 = vector.broadcast %scan3A_218 : i32 to vector<16xi32>
        tpu.vector_store_idx %arg21[%broadcast_in_dim3A_461, %broadcast_in_dim3A_462], %masked_cumsum3A_459 masked %eq3A_2 : memref<20x64xf32, #tpu.memory_space<vmem>>[vector<16xi32>, vector<16xi32>], vector<16xf32>, vector<16xi1>
        %add3A_463 = arith.constant 768 : i32
        %add3A_464 = arith.addi %add3A_463, %scan3A_218 : i32
        %get3A_465 = arith.index_cast %add3A_464 : i32 to index
        %get3A_466 = arith.constant 0 : index
        %get3A_467 = tpu.vector_load %arg17[%get3A_465, %get3A_466] {strides = array<i32>} : memref<1280x32xf32, #tpu.memory_space<vmem>>, vector<16xf32>,
        %add3A_468 = arith.constant 768 : i32
        %add3A_469 = arith.addi %add3A_468, %scan3A_218 : i32
        %get3A_470 = arith.index_cast %add3A_469 : i32 to index
        %get3A_471 = arith.constant 16 : index
        %get3A_472 = tpu.vector_load %arg17[%get3A_470, %get3A_471] {strides = array<i32>} : memref<1280x32xf32, #tpu.memory_space<vmem>>, vector<16xf32>,
        %mul3A_473 = arith.mulf %get3A_220, %get3A_467 : vector<16xf32>
        %mul3A_474 = arith.mulf %get3A_223, %get3A_472 : vector<16xf32>
        %add3A_475 = arith.addf %mul3A_473, %mul3A_474 : vector<16xf32>
        %broadcast_in_dim3A_476 = arith.constant true
        %broadcast_in_dim3A_477 = vector.broadcast %broadcast_in_dim3A_476 : i1 to vector<16xi1>
        %masked_cumsum3A_478 = tpu.scan <sum>, %add3A_475 masked %broadcast_in_dim3A_477 : vector<16xf32>, vector<16xi1> -> vector<16xf32>
        %broadcast_in_dim3A_479 = arith.constant 12 : i32
        %broadcast_in_dim3A_480 = vector.broadcast %broadcast_in_dim3A_479 : i32 to vector<16xi32>
        %broadcast_in_dim3A_481 = vector.broadcast %scan3A_218 : i32 to vector<16xi32>
        tpu.vector_store_idx %arg21[%broadcast_in_dim3A_480, %broadcast_in_dim3A_481], %masked_cumsum3A_478 masked %eq3A_2 : memref<20x64xf32, #tpu.memory_space<vmem>>[vector<16xi32>, vector<16xi32>], vector<16xf32>, vector<16xi1>
        %add3A_482 = arith.constant 832 : i32
        %add3A_483 = arith.addi %add3A_482, %scan3A_218 : i32
        %get3A_484 = arith.index_cast %add3A_483 : i32 to index
        %get3A_485 = arith.constant 0 : index
        %get3A_486 = tpu.vector_load %arg17[%get3A_484, %get3A_485] {strides = array<i32>} : memref<1280x32xf32, #tpu.memory_space<vmem>>, vector<16xf32>,
        %add3A_487 = arith.constant 832 : i32
        %add3A_488 = arith.addi %add3A_487, %scan3A_218 : i32
        %get3A_489 = arith.index_cast %add3A_488 : i32 to index
        %get3A_490 = arith.constant 16 : index
        %get3A_491 = tpu.vector_load %arg17[%get3A_489, %get3A_490] {strides = array<i32>} : memref<1280x32xf32, #tpu.memory_space<vmem>>, vector<16xf32>,
        %mul3A_492 = arith.mulf %get3A_220, %get3A_486 : vector<16xf32>
        %mul3A_493 = arith.mulf %get3A_223, %get3A_491 : vector<16xf32>
        %add3A_494 = arith.addf %mul3A_492, %mul3A_493 : vector<16xf32>
        %broadcast_in_dim3A_495 = arith.constant true
        %broadcast_in_dim3A_496 = vector.broadcast %broadcast_in_dim3A_495 : i1 to vector<16xi1>
        %masked_cumsum3A_497 = tpu.scan <sum>, %add3A_494 masked %broadcast_in_dim3A_496 : vector<16xf32>, vector<16xi1> -> vector<16xf32>
        %broadcast_in_dim3A_498 = arith.constant 13 : i32
        %broadcast_in_dim3A_499 = vector.broadcast %broadcast_in_dim3A_498 : i32 to vector<16xi32>
        %broadcast_in_dim3A_500 = vector.broadcast %scan3A_218 : i32 to vector<16xi32>
        tpu.vector_store_idx %arg21[%broadcast_in_dim3A_499, %broadcast_in_dim3A_500], %masked_cumsum3A_497 masked %eq3A_2 : memref<20x64xf32, #tpu.memory_space<vmem>>[vector<16xi32>, vector<16xi32>], vector<16xf32>, vector<16xi1>
        %add3A_501 = arith.constant 896 : i32
        %add3A_502 = arith.addi %add3A_501, %scan3A_218 : i32
        %get3A_503 = arith.index_cast %add3A_502 : i32 to index
        %get3A_504 = arith.constant 0 : index
        %get3A_505 = tpu.vector_load %arg17[%get3A_503, %get3A_504] {strides = array<i32>} : memref<1280x32xf32, #tpu.memory_space<vmem>>, vector<16xf32>,
        %add3A_506 = arith.constant 896 : i32
        %add3A_507 = arith.addi %add3A_506, %scan3A_218 : i32
        %get3A_508 = arith.index_cast %add3A_507 : i32 to index
        %get3A_509 = arith.constant 16 : index
        %get3A_510 = tpu.vector_load %arg17[%get3A_508, %get3A_509] {strides = array<i32>} : memref<1280x32xf32, #tpu.memory_space<vmem>>, vector<16xf32>,
        %mul3A_511 = arith.mulf %get3A_220, %get3A_505 : vector<16xf32>
        %mul3A_512 = arith.mulf %get3A_223, %get3A_510 : vector<16xf32>
        %add3A_513 = arith.addf %mul3A_511, %mul3A_512 : vector<16xf32>
        %broadcast_in_dim3A_514 = arith.constant true
        %broadcast_in_dim3A_515 = vector.broadcast %broadcast_in_dim3A_514 : i1 to vector<16xi1>
        %masked_cumsum3A_516 = tpu.scan <sum>, %add3A_513 masked %broadcast_in_dim3A_515 : vector<16xf32>, vector<16xi1> -> vector<16xf32>
        %broadcast_in_dim3A_517 = arith.constant 14 : i32
        %broadcast_in_dim3A_518 = vector.broadcast %broadcast_in_dim3A_517 : i32 to vector<16xi32>
        %broadcast_in_dim3A_519 = vector.broadcast %scan3A_218 : i32 to vector<16xi32>
        tpu.vector_store_idx %arg21[%broadcast_in_dim3A_518, %broadcast_in_dim3A_519], %masked_cumsum3A_516 masked %eq3A_2 : memref<20x64xf32, #tpu.memory_space<vmem>>[vector<16xi32>, vector<16xi32>], vector<16xf32>, vector<16xi1>
        %add3A_520 = arith.constant 960 : i32
        %add3A_521 = arith.addi %add3A_520, %scan3A_218 : i32
        %get3A_522 = arith.index_cast %add3A_521 : i32 to index
        %get3A_523 = arith.constant 0 : index
        %get3A_524 = tpu.vector_load %arg17[%get3A_522, %get3A_523] {strides = array<i32>} : memref<1280x32xf32, #tpu.memory_space<vmem>>, vector<16xf32>,
        %add3A_525 = arith.constant 960 : i32
        %add3A_526 = arith.addi %add3A_525, %scan3A_218 : i32
        %get3A_527 = arith.index_cast %add3A_526 : i32 to index
        %get3A_528 = arith.constant 16 : index
        %get3A_529 = tpu.vector_load %arg17[%get3A_527, %get3A_528] {strides = array<i32>} : memref<1280x32xf32, #tpu.memory_space<vmem>>, vector<16xf32>,
        %mul3A_530 = arith.mulf %get3A_220, %get3A_524 : vector<16xf32>
        %mul3A_531 = arith.mulf %get3A_223, %get3A_529 : vector<16xf32>
        %add3A_532 = arith.addf %mul3A_530, %mul3A_531 : vector<16xf32>
        %broadcast_in_dim3A_533 = arith.constant true
        %broadcast_in_dim3A_534 = vector.broadcast %broadcast_in_dim3A_533 : i1 to vector<16xi1>
        %masked_cumsum3A_535 = tpu.scan <sum>, %add3A_532 masked %broadcast_in_dim3A_534 : vector<16xf32>, vector<16xi1> -> vector<16xf32>
        %broadcast_in_dim3A_536 = arith.constant 15 : i32
        %broadcast_in_dim3A_537 = vector.broadcast %broadcast_in_dim3A_536 : i32 to vector<16xi32>
        %broadcast_in_dim3A_538 = vector.broadcast %scan3A_218 : i32 to vector<16xi32>
        tpu.vector_store_idx %arg21[%broadcast_in_dim3A_537, %broadcast_in_dim3A_538], %masked_cumsum3A_535 masked %eq3A_2 : memref<20x64xf32, #tpu.memory_space<vmem>>[vector<16xi32>, vector<16xi32>], vector<16xf32>, vector<16xi1>
        %add3A_539 = arith.constant 1024 : i32
        %add3A_540 = arith.addi %add3A_539, %scan3A_218 : i32
        %get3A_541 = arith.index_cast %add3A_540 : i32 to index
        %get3A_542 = arith.constant 0 : index
        %get3A_543 = tpu.vector_load %arg17[%get3A_541, %get3A_542] {strides = array<i32>} : memref<1280x32xf32, #tpu.memory_space<vmem>>, vector<16xf32>,
        %add3A_544 = arith.constant 1024 : i32
        %add3A_545 = arith.addi %add3A_544, %scan3A_218 : i32
        %get3A_546 = arith.index_cast %add3A_545 : i32 to index
        %get3A_547 = arith.constant 16 : index
        %get3A_548 = tpu.vector_load %arg17[%get3A_546, %get3A_547] {strides = array<i32>} : memref<1280x32xf32, #tpu.memory_space<vmem>>, vector<16xf32>,
        %mul3A_549 = arith.mulf %get3A_220, %get3A_543 : vector<16xf32>
        %mul3A_550 = arith.mulf %get3A_223, %get3A_548 : vector<16xf32>
        %add3A_551 = arith.addf %mul3A_549, %mul3A_550 : vector<16xf32>
        %broadcast_in_dim3A_552 = arith.constant true
        %broadcast_in_dim3A_553 = vector.broadcast %broadcast_in_dim3A_552 : i1 to vector<16xi1>
        %masked_cumsum3A_554 = tpu.scan <sum>, %add3A_551 masked %broadcast_in_dim3A_553 : vector<16xf32>, vector<16xi1> -> vector<16xf32>
        %broadcast_in_dim3A_555 = arith.constant 16 : i32
        %broadcast_in_dim3A_556 = vector.broadcast %broadcast_in_dim3A_555 : i32 to vector<16xi32>
        %broadcast_in_dim3A_557 = vector.broadcast %scan3A_218 : i32 to vector<16xi32>
        tpu.vector_store_idx %arg21[%broadcast_in_dim3A_556, %broadcast_in_dim3A_557], %masked_cumsum3A_554 masked %eq3A_2 : memref<20x64xf32, #tpu.memory_space<vmem>>[vector<16xi32>, vector<16xi32>], vector<16xf32>, vector<16xi1>
        %add3A_558 = arith.constant 1088 : i32
        %add3A_559 = arith.addi %add3A_558, %scan3A_218 : i32
        %get3A_560 = arith.index_cast %add3A_559 : i32 to index
        %get3A_561 = arith.constant 0 : index
        %get3A_562 = tpu.vector_load %arg17[%get3A_560, %get3A_561] {strides = array<i32>} : memref<1280x32xf32, #tpu.memory_space<vmem>>, vector<16xf32>,
        %add3A_563 = arith.constant 1088 : i32
        %add3A_564 = arith.addi %add3A_563, %scan3A_218 : i32
        %get3A_565 = arith.index_cast %add3A_564 : i32 to index
        %get3A_566 = arith.constant 16 : index
        %get3A_567 = tpu.vector_load %arg17[%get3A_565, %get3A_566] {strides = array<i32>} : memref<1280x32xf32, #tpu.memory_space<vmem>>, vector<16xf32>,
        %mul3A_568 = arith.mulf %get3A_220, %get3A_562 : vector<16xf32>
        %mul3A_569 = arith.mulf %get3A_223, %get3A_567 : vector<16xf32>
        %add3A_570 = arith.addf %mul3A_568, %mul3A_569 : vector<16xf32>
        %broadcast_in_dim3A_571 = arith.constant true
        %broadcast_in_dim3A_572 = vector.broadcast %broadcast_in_dim3A_571 : i1 to vector<16xi1>
        %masked_cumsum3A_573 = tpu.scan <sum>, %add3A_570 masked %broadcast_in_dim3A_572 : vector<16xf32>, vector<16xi1> -> vector<16xf32>
        %broadcast_in_dim3A_574 = arith.constant 17 : i32
        %broadcast_in_dim3A_575 = vector.broadcast %broadcast_in_dim3A_574 : i32 to vector<16xi32>
        %broadcast_in_dim3A_576 = vector.broadcast %scan3A_218 : i32 to vector<16xi32>
        tpu.vector_store_idx %arg21[%broadcast_in_dim3A_575, %broadcast_in_dim3A_576], %masked_cumsum3A_573 masked %eq3A_2 : memref<20x64xf32, #tpu.memory_space<vmem>>[vector<16xi32>, vector<16xi32>], vector<16xf32>, vector<16xi1>
        %add3A_577 = arith.constant 1152 : i32
        %add3A_578 = arith.addi %add3A_577, %scan3A_218 : i32
        %get3A_579 = arith.index_cast %add3A_578 : i32 to index
        %get3A_580 = arith.constant 0 : index
        %get3A_581 = tpu.vector_load %arg17[%get3A_579, %get3A_580] {strides = array<i32>} : memref<1280x32xf32, #tpu.memory_space<vmem>>, vector<16xf32>,
        %add3A_582 = arith.constant 1152 : i32
        %add3A_583 = arith.addi %add3A_582, %scan3A_218 : i32
        %get3A_584 = arith.index_cast %add3A_583 : i32 to index
        %get3A_585 = arith.constant 16 : index
        %get3A_586 = tpu.vector_load %arg17[%get3A_584, %get3A_585] {strides = array<i32>} : memref<1280x32xf32, #tpu.memory_space<vmem>>, vector<16xf32>,
        %mul3A_587 = arith.mulf %get3A_220, %get3A_581 : vector<16xf32>
        %mul3A_588 = arith.mulf %get3A_223, %get3A_586 : vector<16xf32>
        %add3A_589 = arith.addf %mul3A_587, %mul3A_588 : vector<16xf32>
        %broadcast_in_dim3A_590 = arith.constant true
        %broadcast_in_dim3A_591 = vector.broadcast %broadcast_in_dim3A_590 : i1 to vector<16xi1>
        %masked_cumsum3A_592 = tpu.scan <sum>, %add3A_589 masked %broadcast_in_dim3A_591 : vector<16xf32>, vector<16xi1> -> vector<16xf32>
        %broadcast_in_dim3A_593 = arith.constant 18 : i32
        %broadcast_in_dim3A_594 = vector.broadcast %broadcast_in_dim3A_593 : i32 to vector<16xi32>
        %broadcast_in_dim3A_595 = vector.broadcast %scan3A_218 : i32 to vector<16xi32>
        tpu.vector_store_idx %arg21[%broadcast_in_dim3A_594, %broadcast_in_dim3A_595], %masked_cumsum3A_592 masked %eq3A_2 : memref<20x64xf32, #tpu.memory_space<vmem>>[vector<16xi32>, vector<16xi32>], vector<16xf32>, vector<16xi1>
        %add3A_596 = arith.constant 1216 : i32
        %add3A_597 = arith.addi %add3A_596, %scan3A_218 : i32
        %get3A_598 = arith.index_cast %add3A_597 : i32 to index
        %get3A_599 = arith.constant 0 : index
        %get3A_600 = tpu.vector_load %arg17[%get3A_598, %get3A_599] {strides = array<i32>} : memref<1280x32xf32, #tpu.memory_space<vmem>>, vector<16xf32>,
        %add3A_601 = arith.constant 1216 : i32
        %add3A_602 = arith.addi %add3A_601, %scan3A_218 : i32
        %get3A_603 = arith.index_cast %add3A_602 : i32 to index
        %get3A_604 = arith.constant 16 : index
        %get3A_605 = tpu.vector_load %arg17[%get3A_603, %get3A_604] {strides = array<i32>} : memref<1280x32xf32, #tpu.memory_space<vmem>>, vector<16xf32>,
        %mul3A_606 = arith.mulf %get3A_220, %get3A_600 : vector<16xf32>
        %mul3A_607 = arith.mulf %get3A_223, %get3A_605 : vector<16xf32>
        %add3A_608 = arith.addf %mul3A_606, %mul3A_607 : vector<16xf32>
        %broadcast_in_dim3A_609 = arith.constant true
        %broadcast_in_dim3A_610 = vector.broadcast %broadcast_in_dim3A_609 : i1 to vector<16xi1>
        %masked_cumsum3A_611 = tpu.scan <sum>, %add3A_608 masked %broadcast_in_dim3A_610 : vector<16xf32>, vector<16xi1> -> vector<16xf32>
        %broadcast_in_dim3A_612 = arith.constant 19 : i32
        %broadcast_in_dim3A_613 = vector.broadcast %broadcast_in_dim3A_612 : i32 to vector<16xi32>
        %broadcast_in_dim3A_614 = vector.broadcast %scan3A_218 : i32 to vector<16xi32>
        tpu.vector_store_idx %arg21[%broadcast_in_dim3A_613, %broadcast_in_dim3A_614], %masked_cumsum3A_611 masked %eq3A_2 : memref<20x64xf32, #tpu.memory_space<vmem>>[vector<16xi32>, vector<16xi32>], vector<16xf32>, vector<16xi1>
      }
      %scan3A_194 = arith.constant 64 : i32
      %gt3A_195 = arith.constant 0 : i32
      %gt3A_196 = arith.cmpi sgt, %scan3A_99, %gt3A_195 : i32
      %convert_element_type3A_197 = arith.extui %gt3A_196 : i1 to i32
      %cond3A_198 = arith.constant 0 : i32
      %cond3A_199 = arith.cmpi ne, %convert_element_type3A_197, %cond3A_198 : i32
      scf.if %cond3A_199 {
        %dma_wait3A_218 = arith.constant 0 : i32
        %dma_wait3A_219 = tpu.memref_slice %arg6[%dma_wait3A_218] : memref<16384xf32, #tpu.memory_space<hbm>> -> memref<64xf32, #tpu.memory_space<hbm>>
        %dma_wait3A_220 = arith.constant 0 : i32
        %dma_wait3A_221 = tpu.memref_slice %arg6[%dma_wait3A_220] : memref<16384xf32, #tpu.memory_space<hbm>> -> memref<64xf32, #tpu.memory_space<hbm>>
        tpu.wait_dma2 semaphore(%arg27 : memref<!tpu.dma_semaphore, #tpu.memory_space<semaphore_mem>>) src(%arg19 : memref<64xf32, #tpu.memory_space<vmem>>) dst(%dma_wait3A_221 : memref<64xf32, #tpu.memory_space<hbm>>)
        %dma_wait3A_222 = arith.constant 0 : i32
        %dma_wait3A_223 = arith.constant 0 : i32
        %dma_wait3A_224 = arith.constant 0 : i32
        %dma_wait3A_225 = tpu.memref_slice %arg7[%dma_wait3A_222, %dma_wait3A_223, %dma_wait3A_224] : memref<256x20x64xf32, #tpu.memory_space<hbm>> -> memref<1x20x64xf32, #tpu.memory_space<hbm>>
        %dma_wait3A_226 = tpu.memref_squeeze %dma_wait3A_225 : memref<1x20x64xf32, #tpu.memory_space<hbm>> -> memref<20x64xf32, #tpu.memory_space<hbm>>
        %dma_wait3A_227 = arith.constant 0 : i32
        %dma_wait3A_228 = arith.constant 0 : i32
        %dma_wait3A_229 = tpu.memref_slice %arg7[%dma_wait3A_222, %dma_wait3A_227, %dma_wait3A_228] : memref<256x20x64xf32, #tpu.memory_space<hbm>> -> memref<1x20x64xf32, #tpu.memory_space<hbm>>
        %dma_wait3A_230 = tpu.memref_squeeze %dma_wait3A_229 : memref<1x20x64xf32, #tpu.memory_space<hbm>> -> memref<20x64xf32, #tpu.memory_space<hbm>>
        tpu.wait_dma2 semaphore(%arg27 : memref<!tpu.dma_semaphore, #tpu.memory_space<semaphore_mem>>) src(%arg21 : memref<20x64xf32, #tpu.memory_space<vmem>>) dst(%dma_wait3A_230 : memref<20x64xf32, #tpu.memory_space<hbm>>)
      } else {
      }
      %mul3A_200 = arith.constant 8 : i32
      %mul3A_201 = arith.muli %add3A, %mul3A_200 : i32
      %add3A_202 = arith.addi %mul3A_201, %add3A_105 : i32
      %mul3A_203 = arith.constant 64 : i32
      %mul3A_204 = arith.muli %add3A_202, %mul3A_203 : i32
      %dma_start3A_205 = tpu.memref_slice %arg6[%mul3A_204] : memref<16384xf32, #tpu.memory_space<hbm>> -> memref<64xf32, #tpu.memory_space<hbm>>
      %dma_start3A_206 = tpu.memref_slice %arg6[%mul3A_204] : memref<16384xf32, #tpu.memory_space<hbm>> -> memref<64xf32, #tpu.memory_space<hbm>>
      tpu.enqueue_dma source(%arg19 : memref<64xf32, #tpu.memory_space<vmem>>) target(%dma_start3A_206 : memref<64xf32, #tpu.memory_space<hbm>>) target_semaphore(%arg27 : memref<!tpu.dma_semaphore, #tpu.memory_space<semaphore_mem>>)
      %mul3A_207 = arith.constant 8 : i32
      %mul3A_208 = arith.muli %add3A, %mul3A_207 : i32
      %add3A_209 = arith.addi %mul3A_208, %add3A_105 : i32
      %dma_start3A_210 = arith.constant 0 : i32
      %dma_start3A_211 = arith.constant 0 : i32
      %dma_start3A_212 = tpu.memref_slice %arg7[%add3A_209, %dma_start3A_210, %dma_start3A_211] : memref<256x20x64xf32, #tpu.memory_space<hbm>> -> memref<1x20x64xf32, #tpu.memory_space<hbm>>
      %dma_start3A_213 = tpu.memref_squeeze %dma_start3A_212 : memref<1x20x64xf32, #tpu.memory_space<hbm>> -> memref<20x64xf32, #tpu.memory_space<hbm>>
      %dma_start3A_214 = arith.constant 0 : i32
      %dma_start3A_215 = arith.constant 0 : i32
      %dma_start3A_216 = tpu.memref_slice %arg7[%add3A_209, %dma_start3A_214, %dma_start3A_215] : memref<256x20x64xf32, #tpu.memory_space<hbm>> -> memref<1x20x64xf32, #tpu.memory_space<hbm>>
      %dma_start3A_217 = tpu.memref_squeeze %dma_start3A_216 : memref<1x20x64xf32, #tpu.memory_space<hbm>> -> memref<20x64xf32, #tpu.memory_space<hbm>>
      tpu.enqueue_dma source(%arg21 : memref<20x64xf32, #tpu.memory_space<vmem>>) target(%dma_start3A_217 : memref<20x64xf32, #tpu.memory_space<hbm>>) target_semaphore(%arg27 : memref<!tpu.dma_semaphore, #tpu.memory_space<semaphore_mem>>)
    }
    %scan3A_72 = arith.constant 4 : i32
    %dma_wait3A_73 = arith.constant 0 : i32
    %dma_wait3A_74 = tpu.memref_slice %arg6[%dma_wait3A_73] : memref<16384xf32, #tpu.memory_space<hbm>> -> memref<64xf32, #tpu.memory_space<hbm>>
    %dma_wait3A_75 = arith.constant 0 : i32
    %dma_wait3A_76 = tpu.memref_slice %arg6[%dma_wait3A_75] : memref<16384xf32, #tpu.memory_space<hbm>> -> memref<64xf32, #tpu.memory_space<hbm>>
    tpu.wait_dma2 semaphore(%arg26 : memref<!tpu.dma_semaphore, #tpu.memory_space<semaphore_mem>>) src(%arg18 : memref<64xf32, #tpu.memory_space<vmem>>) dst(%dma_wait3A_76 : memref<64xf32, #tpu.memory_space<hbm>>)
    %dma_wait3A_77 = arith.constant 0 : i32
    %dma_wait3A_78 = arith.constant 0 : i32
    %dma_wait3A_79 = arith.constant 0 : i32
    %dma_wait3A_80 = tpu.memref_slice %arg7[%dma_wait3A_77, %dma_wait3A_78, %dma_wait3A_79] : memref<256x20x64xf32, #tpu.memory_space<hbm>> -> memref<1x20x64xf32, #tpu.memory_space<hbm>>
    %dma_wait3A_81 = tpu.memref_squeeze %dma_wait3A_80 : memref<1x20x64xf32, #tpu.memory_space<hbm>> -> memref<20x64xf32, #tpu.memory_space<hbm>>
    %dma_wait3A_82 = arith.constant 0 : i32
    %dma_wait3A_83 = arith.constant 0 : i32
    %dma_wait3A_84 = tpu.memref_slice %arg7[%dma_wait3A_77, %dma_wait3A_82, %dma_wait3A_83] : memref<256x20x64xf32, #tpu.memory_space<hbm>> -> memref<1x20x64xf32, #tpu.memory_space<hbm>>
    %dma_wait3A_85 = tpu.memref_squeeze %dma_wait3A_84 : memref<1x20x64xf32, #tpu.memory_space<hbm>> -> memref<20x64xf32, #tpu.memory_space<hbm>>
    tpu.wait_dma2 semaphore(%arg26 : memref<!tpu.dma_semaphore, #tpu.memory_space<semaphore_mem>>) src(%arg20 : memref<20x64xf32, #tpu.memory_space<vmem>>) dst(%dma_wait3A_85 : memref<20x64xf32, #tpu.memory_space<hbm>>)
    %dma_wait3A_86 = arith.constant 0 : i32
    %dma_wait3A_87 = tpu.memref_slice %arg6[%dma_wait3A_86] : memref<16384xf32, #tpu.memory_space<hbm>> -> memref<64xf32, #tpu.memory_space<hbm>>
    %dma_wait3A_88 = arith.constant 0 : i32
    %dma_wait3A_89 = tpu.memref_slice %arg6[%dma_wait3A_88] : memref<16384xf32, #tpu.memory_space<hbm>> -> memref<64xf32, #tpu.memory_space<hbm>>
    tpu.wait_dma2 semaphore(%arg27 : memref<!tpu.dma_semaphore, #tpu.memory_space<semaphore_mem>>) src(%arg19 : memref<64xf32, #tpu.memory_space<vmem>>) dst(%dma_wait3A_89 : memref<64xf32, #tpu.memory_space<hbm>>)
    %dma_wait3A_90 = arith.constant 0 : i32
    %dma_wait3A_91 = arith.constant 0 : i32
    %dma_wait3A_92 = arith.constant 0 : i32
    %dma_wait3A_93 = tpu.memref_slice %arg7[%dma_wait3A_90, %dma_wait3A_91, %dma_wait3A_92] : memref<256x20x64xf32, #tpu.memory_space<hbm>> -> memref<1x20x64xf32, #tpu.memory_space<hbm>>
    %dma_wait3A_94 = tpu.memref_squeeze %dma_wait3A_93 : memref<1x20x64xf32, #tpu.memory_space<hbm>> -> memref<20x64xf32, #tpu.memory_space<hbm>>
    %dma_wait3A_95 = arith.constant 0 : i32
    %dma_wait3A_96 = arith.constant 0 : i32
    %dma_wait3A_97 = tpu.memref_slice %arg7[%dma_wait3A_90, %dma_wait3A_95, %dma_wait3A_96] : memref<256x20x64xf32, #tpu.memory_space<hbm>> -> memref<1x20x64xf32, #tpu.memory_space<hbm>>
    %dma_wait3A_98 = tpu.memref_squeeze %dma_wait3A_97 : memref<1x20x64xf32, #tpu.memory_space<hbm>> -> memref<20x64xf32, #tpu.memory_space<hbm>>
    tpu.wait_dma2 semaphore(%arg27 : memref<!tpu.dma_semaphore, #tpu.memory_space<semaphore_mem>>) src(%arg21 : memref<20x64xf32, #tpu.memory_space<vmem>>) dst(%dma_wait3A_98 : memref<20x64xf32, #tpu.memory_space<hbm>>)
    return
  }
}

module attributes {stable_mosaic.version = 14 : i64} {
  func.func @_tc_loss_body(%arg0: memref<128x128xf32, #tpu.memory_space<vmem>>, %arg1: memref<2560x128xf32, #tpu.memory_space<vmem>>, %arg2: memref<1x1xf32, #tpu.memory_space<vmem>>) attributes {dimension_semantics = [], scalar_prefetch = 0 : i64, scratch_operands = 0 : i64, tpu.core_type = #tpu.core_type<tc>} {
    %get3A = arith.constant 0 : index
    %get3A_0 = arith.constant 0 : index
    %get3A_1 = vector.load %arg0[%get3A, %get3A_0] : memref<128x128xf32, #tpu.memory_space<vmem>>, vector<128x128xf32>
    %get3A_2 = arith.constant 0 : index
    %get3A_3 = arith.constant 0 : index
    %get3A_4 = vector.load %arg1[%get3A_2, %get3A_3] : memref<2560x128xf32, #tpu.memory_space<vmem>>, vector<2560x128xf32>
    %min3A = arith.constant 0.000000e+00 : f32
    %min3A_5 = vector.broadcast %min3A : f32 to vector<128x128xf32>
    %min3A_6 = arith.minimumf %get3A_1, %min3A_5 : vector<128x128xf32>
    %abs3A = math.absf %get3A_1 : vector<128x128xf32>
    %neg3A = arith.constant 0.000000e+00 : f32
    %neg3A_7 = vector.broadcast %neg3A : f32 to vector<128x128xf32>
    %neg3A_8 = arith.subf %neg3A_7, %abs3A : vector<128x128xf32>
    %exp3A = math.exp %neg3A_8 : vector<128x128xf32>
    %log1p3A = math.log1p %exp3A : vector<128x128xf32>
    %sub3A = arith.subf %min3A_6, %log1p3A : vector<128x128xf32>
    %reduce_sum3A = vector.shape_cast %sub3A : vector<128x128xf32> to vector<1x128x128xf32>
    %reduce_sum3A_9 = arith.constant dense<0.000000e+00> : vector<1xf32>
    %reduce_sum3A_10 = vector.multi_reduction <add>, %reduce_sum3A, %reduce_sum3A_9 [1, 2] : vector<1x128x128xf32> to vector<1xf32>
    %reduce_sum3A_11 = vector.shape_cast %reduce_sum3A_10 : vector<1xf32> to vector<1x1x1xf32>
    %reduce_sum3A_12 = vector.extract %reduce_sum3A_11[0, 0, 0] : f32 from vector<1x1x1xf32>
    %neg3A_13 = arith.constant 0.000000e+00 : f32
    %neg3A_14 = vector.broadcast %neg3A_13 : f32 to vector<2560x128xf32>
    %neg3A_15 = arith.subf %neg3A_14, %get3A_4 : vector<2560x128xf32>
    %min3A_16 = arith.constant 0.000000e+00 : f32
    %min3A_17 = vector.broadcast %min3A_16 : f32 to vector<2560x128xf32>
    %min3A_18 = arith.minimumf %neg3A_15, %min3A_17 : vector<2560x128xf32>
    %abs3A_19 = math.absf %neg3A_15 : vector<2560x128xf32>
    %neg3A_20 = arith.constant 0.000000e+00 : f32
    %neg3A_21 = vector.broadcast %neg3A_20 : f32 to vector<2560x128xf32>
    %neg3A_22 = arith.subf %neg3A_21, %abs3A_19 : vector<2560x128xf32>
    %exp3A_23 = math.exp %neg3A_22 : vector<2560x128xf32>
    %log1p3A_24 = math.log1p %exp3A_23 : vector<2560x128xf32>
    %sub3A_25 = arith.subf %min3A_18, %log1p3A_24 : vector<2560x128xf32>
    %reduce_sum3A_26 = vector.shape_cast %sub3A_25 : vector<2560x128xf32> to vector<1x2560x128xf32>
    %reduce_sum3A_27 = arith.constant dense<0.000000e+00> : vector<1xf32>
    %reduce_sum3A_28 = vector.multi_reduction <add>, %reduce_sum3A_26, %reduce_sum3A_27 [1, 2] : vector<1x2560x128xf32> to vector<1xf32>
    %reduce_sum3A_29 = vector.shape_cast %reduce_sum3A_28 : vector<1xf32> to vector<1x1x1xf32>
    %reduce_sum3A_30 = vector.extract %reduce_sum3A_29[0, 0, 0] : f32 from vector<1x1x1xf32>
    %add3A = arith.addf %reduce_sum3A_12, %reduce_sum3A_30 : f32
    %neg3A_31 = arith.constant 0.000000e+00 : f32
    %neg3A_32 = arith.subf %neg3A_31, %add3A : f32
    %div3A = arith.constant 1.638400e+04 : f32
    %div3A_33 = arith.divf %neg3A_32, %div3A : f32
    %reshape3A = vector.broadcast %div3A_33 : f32 to vector<1x1xf32>
    %swap3A = arith.constant 0 : index
    %swap3A_34 = arith.constant 0 : index
    %swap3A_35 = vector.load %arg2[%swap3A, %swap3A_34] : memref<1x1xf32, #tpu.memory_space<vmem>>, vector<1x1xf32>
    tpu.vector_store %arg2[%swap3A, %swap3A_34], %reshape3A {strides = array<i32>} : memref<1x1xf32, #tpu.memory_space<vmem>>, vector<1x1xf32>,
    return
  }
}

</mosaic_0001>

<sc_bundles>
// kernel: kernel.4.cloned.1.call-start
scs
__scs_entry_jumppad:
0x0: {  	(pc) =	sbr.rel $0x88, $3  }
0x1: {  	(tag) =	ssettag $0x0;
	lr =	simm.s32 $0x1  }
0x2: {  	[smem:$0x3F9C] =	sst lr;
	_ =	strace $0xD0000000  }
0x3: {  	_ = 	snop  }
0x4: {  	_ = 	snop  }
0x5: {  	_ = 	snop  }
0x6: {  	_ = 	snop  }
0x7: {  	_ = 	snop  }
__scs_overlays_trampoline_lowered:
0x8: {  	[smem:$0x3FAB] =	sst s0  }
0x9: {  	[smem:$0x3FAC] =	sst s1  }
0xa: {  	[smem:$0x3FAD] =	sst s2  }
0xb: {  	[smem:$0x3FAE] =	sst s3  }
0xc: {  	[smem:$0x3FAF] =	sst s4  }
0xd: {  	[smem:$0x3FB0] =	sst s5  }
0xe: {  	[smem:$0x3FB1] =	sst s6  }
0xf: {  	[smem:$0x3FB2] =	sst s7  }
0x10: {  	[smem:$0x3FB3] =	sst s8  }
0x11: {  	[smem:$0x3FB4] =	sst s9;
	s0 =	simm.s32 @!p0 $0x0  }
0x12: {  	s1 =	sld [smem:$0x3F9A];
	s0 =	simm.s32 @p0 $0x1  }
0x13: {  	[smem:$0x3FB5] =	sst s0;
	s0 =	simm.s32 @!p1 $0x0  }
0x14: {  	s2 =	sld [smem:$0x3F99];
	s0 =	simm.s32 @p1 $0x1  }
0x15: {  	[smem:$0x3FB6] =	sst s0;
	s0 =	simm.s32 @!p2 $0x0  }
0x16: {  	s3 =	sld [smem:$0x3FDB];
	s0 =	simm.s32 @p2 $0x1  }
0x17: {  	s4 =	simm.s32 $0x1BF5;
	[smem:$0x3FB8] =	sst s0  }
0x18: {  	s0 =	sld [smem:$0x3F9B];
	_ =	swait.ge [sflag:s4], $0x0  }
0x19: {  	s7 =	sld [smem:$0x3F9C]  }
0x1a: {  	s8 =	sadd.s32 $0xFFFFE003, lr  }
0x1b: {  	s9 =	sadd.s32 $0xFFFFFEF7, lr;
	s5 =	simm.s32 $0xFFFFFFFF;
	p2 =	slt.u32 s8, $0xFFFFF086  }
0x1c: {  	p1 =	slt.u32 s9, $0xF7A;
	s5 =	simm.s32 @!p2 $0x0  }
0x1d: {  	s5 =	simm.s32 @p1 $0x1;
	p0 =	seq.s32 s7, s2  }
0x1e: {  	s7 =	smul.u32 @!p0 $0xF7A, s2;
	p2 =	seq.s32 @!p0 s5, $0x0  }
0x1f: {  	s9 =	smul.u32 $0xF7A, s1;
	s8 =	simm.s32 @!p0 $0x1BF5;
	p2 =	por !p2, p0  }
0x20: {  	[sflag:s8] =	ssyncset.s32 @!p0 $0xFFFFF086;
	s6 =	sadd.s32 @!p0 s3, s7;
	s7 =	simm.s32 @!p0 $0x108  }
0x21: {  	s3 =	sadd.s32 s3, s9;
	s6 =	sadd.s32 @!p0 $0x88, s6;
	s7 =	simm.s32 @p2 $0x1082  }
0x22: {  	[simem:s7], [sflag:s8] =	dma.local @!p0 [hbm:s6], $0xF7A  }
0x23: {  	s9 =	sor.u32 $0xD0000000, s2;
	s6 =	simm.s32 $0x108;
	_ =	swait.ge @!p0 [sflag:s8], $0x0  }
0x24: {  	s3 =	sadd.s32 $0x88, s3;
	s6 =	simm.s32 @!p1 $0x1082;
	[sflag:s4] =	ssyncset.s32 $0xFFFFF086  }
0x25: {  	[simem:s6], [sflag:s4] =	dma.local [hbm:s3], $0xF7A  }
0x26: {  	[smem:$0x3F9C] =	sst s1;
	(tag) =	ssettag s2;
	_ =	strace s9  }
0x27: {  	s1 =	sld [smem:$0x3FAC]  }
0x28: {  	s2 =	sld [smem:$0x3FAD]  }
0x29: {  	s4 =	sld [smem:$0x3FAF]  }
0x2a: {  	p0 =	seq.s32 s5, $0x0;
	s5 =	sld [smem:$0x3FB0]  }
0x2b: {  	s6 =	sld [smem:$0x3FB1]  }
0x2c: {  	s7 =	sld [smem:$0x3FB2]  }
0x2d: {  	s3 =	simm.s32 $0x108;
	s8 =	sld [smem:$0x3FB3]  }
0x2e: {  	s3 =	simm.s32 @!p0 $0x1082;
	s9 =	sld [smem:$0x3FB4]  }
0x2f: {  	lr =	sadd.s32 s0, s3;
	s0 =	sld [smem:$0x3FAB]  }
0x30: {  	s3 =	sld [smem:$0x3FAE]  }
0x31: {  	[smem:$0x3FB7] =	sst s10  }
0x32: {  	s10 =	sld [smem:$0x3FB5];
	_ =	sdelay $0x3  }
0x33: {  	p0 =	seq.s32 s10, $0x1;
	s10 =	sld [smem:$0x3FB7];
	_ =	sdelay $0x3  }
0x34: {  	[smem:$0x3FB7] =	sst s10  }
0x35: {  	s10 =	sld [smem:$0x3FB6];
	_ =	sdelay $0x3  }
0x36: {  	p1 =	seq.s32 s10, $0x1;
	s10 =	sld [smem:$0x3FB7];
	_ =	sdelay $0x3  }
0x37: {  	[smem:$0x3FB7] =	sst s10  }
0x38: {  	s10 =	sld [smem:$0x3FB8]  }
0x39: {  	_ = 	snop;
	(pc) =	sbr.ind lr, $3  }
0x3a: {  	_ = 	snop  }
0x3b: {  	_ = 	snop  }
0x3c: {  	p2 =	seq.s32 s10, $0x1;
	s10 =	sld [smem:$0x3FB7]  }
0x3d: {  	_ =	shalt  }
0x3e: {  	_ =	shalt  }
0x3f: {  	_ =	shalt  }
0x40: {  	_ =	shalt  }
0x41: {  	_ =	shalt  }
0x42: {  	_ =	shalt  }
0x43: {  	_ =	shalt  }
0x44: {  	_ =	shalt  }
0x45: {  	_ =	shalt  }
0x46: {  	_ =	shalt  }
0x47: {  	_ =	shalt  }
0x48: {  	_ =	shalt  }
0x49: {  	_ =	shalt  }
0x4a: {  	_ =	shalt  }
0x4b: {  	_ =	shalt  }
0x4c: {  	_ =	shalt  }
0x4d: {  	_ =	shalt  }
0x4e: {  	_ =	shalt  }
0x4f: {  	_ =	shalt  }
0x50: {  	_ =	shalt  }
0x51: {  	_ =	shalt  }
0x52: {  	_ =	shalt  }
0x53: {  	_ =	shalt  }
0x54: {  	_ =	shalt  }
0x55: {  	_ =	shalt  }
0x56: {  	_ =	shalt  }
0x57: {  	_ =	shalt  }
0x58: {  	_ =	shalt  }
0x59: {  	_ =	shalt  }
0x5a: {  	_ =	shalt  }
0x5b: {  	_ =	shalt  }
0x5c: {  	_ =	shalt  }
0x5d: {  	_ =	shalt  }
0x5e: {  	_ =	shalt  }
0x5f: {  	_ =	shalt  }
0x60: {  	_ =	shalt  }
0x61: {  	_ =	shalt  }
0x62: {  	_ =	shalt  }
0x63: {  	_ =	shalt  }
0x64: {  	_ =	shalt  }
0x65: {  	_ =	shalt  }
0x66: {  	_ =	shalt  }
0x67: {  	_ =	shalt  }
0x68: {  	_ =	shalt  }
0x69: {  	_ =	shalt  }
0x6a: {  	_ =	shalt  }
0x6b: {  	_ =	shalt  }
0x6c: {  	_ =	shalt  }
0x6d: {  	_ =	shalt  }
0x6e: {  	_ =	shalt  }
0x6f: {  	_ =	shalt  }
0x70: {  	_ =	shalt  }
0x71: {  	_ =	shalt  }
0x72: {  	_ =	shalt  }
0x73: {  	_ =	shalt  }
0x74: {  	_ =	shalt  }
0x75: {  	_ =	shalt  }
0x76: {  	_ =	shalt  }
0x77: {  	_ =	shalt  }
0x78: {  	_ =	shalt  }
0x79: {  	_ =	shalt  }
0x7a: {  	_ =	shalt  }
0x7b: {  	_ =	shalt  }
0x7c: {  	_ =	shalt  }
0x7d: {  	_ =	shalt  }
0x7e: {  	_ =	shalt  }
0x7f: {  	_ =	shalt  }
0x80: {  	_ =	shalt  }
0x81: {  	_ =	shalt  }
0x82: {  	_ =	shalt  }
0x83: {  	_ =	shalt  }
0x84: {  	_ =	shalt  }
0x85: {  	_ =	shalt  }
0x86: {  	_ =	shalt  }
0x87: {  	_ =	shalt  }
.Lfunc_end0:
.L_simem_size_0:
called_computation_lowered:
.L_overlay_start_0:
0x88: {  	s2 =	sld [smem:$0x3FD9]  }
0x89: {  	s3 =	sld [smem:$0x3FFE];
	_ =	sdelay $0x1  }
0x8a: {  	s1 =	srdreg.scid  }
0x8b: {  	s0 =	sand.u32 $0x1, s1  }
0x8c: {  	s16 =	sshll.u32 s0, $0xA;
	s2 =	sadd.s32 s3, s2  }
0x8d: {  	s2 =	sadd.s32 s2, s16  }
0x8e: {  	[smem:$0x3FC3] =	sst s2  }
0x8f: {  	_ = 	snop  }
0x90: {  	(tm) =	ssettm $0x1  }
0x91: {  	s17 =	sld [smem:$0x3FFB];
	_ =	sdelay $0x3  }
0x92: {  	_ =	strace s17  }
0x93: {  	s2 =	sld [smem:$0x3FFC];
	_ =	sdelay $0x3  }
0x94: {  	_ =	strace s2  }
0x95: {  	s2 =	sld [smem:$0x3FFD];
	_ =	sdelay $0x3  }
0x96: {  	_ =	strace s2  }
0x97: {  	_ =	strace $0x8FFFFFFF  }
0x98: {  	s18 =	sld [smem:$0x3FDB];
	_ =	sdelay $0x1  }
0x99: {  	s19 =	simm.s32 $_scs_section_size  }
0x9a: {  	s4 =	simm.s32 $_size__tile_overlayer_lowered;
	s5 =	simm.s32 $_tile_overlayer_lowered  }
0x9b: {  	s22 =	simm.s32 $0x1BFF;
	s21 =	sshll.u32 s5, $0x1;
	s2 =	sadd.s32 s19, s18  }
0x9c: {  	s6 =	simm.s32 $0x0;
	s20 =	sshll.u32 s4, $0x1;
	s4 =	sadd.s32 s21, s2  }
0x9d: {  	[timem:s6], [sflag:s22] =	dma.local [hbm:s4], s20  }
0x9e: {  	_ =	swait.ge [sflag:s22], s20  }
0x9f: {  	s3 =	ssub.s32 $0x0, s20;
	[sflag:s22] =	ssyncset.done $0x0  }
0xa0: {  	[sflag:s22] =	ssyncadd.s32 s3;
	_ =	sdelay $0x1  }
0xa1: {  	s23 =	simm.s32 $0x1B8B  }
0xa2: {  	_ =	swait.ge [sflag:s23], $0x1  }
0xa3: {  	[sflag:s23] =	ssyncset.done $0x0  }
0xa4: {  	s25 =	simm.s32 $0x1B8E;
	s24 =	sld [smem:$0x3FFE];
	[sflag:s23] =	ssyncadd.s32 $0xFFFFFFFF  }
0xa5: {  	s26 =	simm.s32 $execute0_lowered;
	[smem:$0x3FD2] =	sst s25  }
0xa6: {  	s4 =	sshll.u32 s26, $0x1;
	_ =	strace $0x80000046;
	[dreg:$0x1] =	wrdreg $0xFFFFFFFF  }
0xa7: {  	s28 =	simm.s32 $_size_execute0_lowered;
	s2 =	sadd.s32 s2, s4;
	[dreg:$0x0] =	wrdreg $0x0  }
0xa8: {  	s4 =	sshll.u32 s28, $0x1;
	[dreg:$0x2] =	wrdreg s2  }
0xa9: {  	[dreg:$0x3] =	wrdreg s4  }
0xaa: {  	[dreg:$0x4] =	wrdreg $0xC0  }
0xab: {  	_ =	task [dreg:s6], $0x5FFFF  }
0xac: {  	[dreg:$0x1] =	wrdreg $0xFFFFFFFF  }
0xad: {  	[dreg:$0x0] =	wrdreg $0x60  }
0xae: {  	[dreg:$0x2] =	wrdreg s24  }
0xaf: {  	[dreg:$0x3] =	wrdreg $0x9  }
0xb0: {  	_ =	task.clear_ibuf [dreg:s6], $0x4FFFF;
	_ =	strace $0x90000046  }
0xb1: {  	s29 =	simm.s32 $0x9;
	_ =	strace $0x80000048  }
0xb2: {  	_ =	swait.ge [sflag:s29], $0x1  }
0xb3: {  	[sflag:s29] =	ssyncadd.s32 $0xFFFFFFFF  }
0xb4: {  	_ =	strace $0x90000048  }
0xb5: {  	_ =	sfence  }
0xb6: {  	s30 =	sld [smem:$0x0];
	_ =	sdelay $0x2  }
0xb7: {  	s31 =	sshll.u32 s1, $0xD;
	s1 =	sshrl.u32 s1, $0x2  }
0xb8: {  	s3 =	sand.u32 $0x4000, s31;
	s1 =	sadd.s32 s1, s30  }
0xb9: {  	s0 =	sor.u32 s3, s0;
	s1 =	sshll.u32 s1, $0x11  }
0xba: {  	s0 =	sor.u32 s1, s0  }
0xbb: {  	s0 =	sadd.s32 $0x8F2B, s0  }
0xbc: {  	[sflag:s0] =	ssyncadd.remote.s32 $0x1  }
0xbd: {  	_ =	sfence.sel $0xFFFF  }
0xbe: {  	[dreg:$0x0] =	wrdreg $0xFFFFFFFF;
	(pc) =	sbr.abs _section_cstart, $3  }
0xbf: {  	[dreg:$0x1] =	wrdreg $0xFFFFFFFF  }
0xc0: {  	_ =	task.clear_ibuf [dreg:s6], $0x2FFFF;
	_ =	strace $0x9FFFFFFF  }
0xc1: {  	(tm) =	ssettm $0x7FFFFFFF  }
tec
execute0_lowered:
.L_overlay_start_1:
0x0: {  	(tag) =	ssettag $0x1  }
0x1: {  	s0 =	rddreg [dreg:$0x0];
	s1 =	simm.s32 $0x0;
	s4 =	srdreg.scid  }
0x2: {  	s8 =	stileid.u32;
	s19 =	simm.s32 $0x40;
	s22 =	simm.s32 $0x500  }
0x3: {  	s29 =	simm.s32 $0xC0;
	s30 =	simm.s32 $0x2300;
	s31 =	simm.s32 $0xCB00  }
0x4: {  	s20 =	simm.s32 $0x16B80;
	s21 =	simm.s32 $0x4;
	s23 =	simm.s32 $0x16B40  }
0x5: {  	s17 =	simm.s32 $0x17080;
	[smem:$0x7FF] =	sst s1;
	s2 =	sadd.s32 $0x1314000, s0  }
0x6: {  	s3 =	sadd.s32 $0xF43600, s0;
	s5 =	sadd.s32 $0xB200, s0;
	s6 =	sadd.s32 $0x1200, s0  }
0x7: {  	s7 =	sadd.s32 $0x16200, s0;
	s4 =	sand.u32 $0x1, s4;
	s9 =	sshll.u32 s8, $0x4  }
0x8: {  	s8 =	sadd.s32 $0xC200, s0;
	s10 =	ssub.s32 $0x2, s4;
	s4 =	sshll.u32 s4, $0x3  }
0x9: {  	_ =	strace $0x80000047;
	s24 =	sshrl.u32 s10, $0x1;
	s9 =	sor.u32 s4, s9  }
0xa: {  	s0 =	ssub.s32 s10, s24;
	s4 =	smul.u32 $0xA0, s9;
	s25 =	sor.u32 $0x1, s9  }
0xb: {  	s11 =	sshll.u32 s9, $0x4;
	s14 =	sor.u32 $0x2, s9;
	s15 =	sor.u32 $0x3, s9  }
0xc: {  	s24 =	simm.s32 $0x80;
	s12 =	sshll.u32 s25, $0x4;
	s11 =	sadd.s32 s5, s11  }
0xd: {  	s10 =	smul.u32 $0xA0, s25;
	s0 =	smax.u32 s0, $0x1;
	[dreg:$0x2] =	wrdreg s11  }
0xe: {  	s25 =	simm.s32 $0x600;
	s4 =	sadd.s32 s6, s4;
	[dreg:$0x6] =	wrdreg s0  }
0xf: {  	s26 =	sadd.s32 s5, s12;
	s0 =	simm.s32 $0x3;
	[dreg:$0x3] =	wrdreg s4  }
0x10: {  	s12 =	simm.s32 $0x0;
	[dreg:$0x4] =	wrdreg s26;
	s28 =	sadd.s32 s6, s10  }
0x11: {  	vm0 =	vcmask $0x3F3C;
	s26 =	simm.s32 $0x2;
	s4 =	simm.s32 $0x16B00;
	[dreg:$0x5] =	wrdreg s28  }
.LBB2_1:
0x12: {  	[dreg:$0x7] =	wrdreg s12  }
0x13: {  	s10 =	rddreg [dreg:$0x2]  }
0x14: {  	[tilespmem:s1], [sflag:$0x1] =	stream.linear.gather [hbm4b:s10+s1], $0x80, $0x38;
	[tilespmem:$0x17580] =	vst v63  }
0x15: {  	s18 =	rddreg [dreg:$0x3];
	s11 =	simm.s32 $0x100;
	s28 =	simm.s32 $0x1  }
0x16: {  	[tilespmem:s11], [sflag:$0x1] =	stream.linear.gather [hbm4b:s18+s1], $0x500, $0x38;
	[tilespmem:$0x17580] =	vst v63  }
0x17: {  	_ =	swait.ge [sflag:s28], $0x80  }
0x18: {  	[sflag:s28] =	ssyncset.done $0x0  }
0x19: {  	[sflag:s28] =	ssyncadd.s32 $0xFFFFFF80  }
0x1a: {  	_ =	swait.ge [sflag:s28], $0x500  }
0x1b: {  	[sflag:s28] =	ssyncset.done $0x0  }
0x1c: {  	s12 =	simm.s32 $0xB00;
	[sflag:s28] =	ssyncadd.s32 $0xFFFFFB00  }
0x1d: {  	[tilespmem:s12], [sflag:$0x3] =	stream.indirect.gather [hbm4b:s3+s19], $0x20, s1, s19, $0xb8;
	[tilespmem:$0x17580] =	vst v63  }
0x1e: {  	s13 =	simm.s32 $0x1B00  }
0x1f: {  	[tilespmem:s13], [sflag:$0x3] =	stream.indirect.gather [hbm4b:s2+s19], $0x20, s19, s19, $0xb8;
	[tilespmem:$0x17580] =	vst v63  }
0x20: {  	s16 =	simm.s32 $0x2B00  }
0x21: {  	[tilespmem:s16], [sflag:$0x3] =	stream.indirect.gather [hbm4b:s2+s22], $0x20, s11, s22, $0xb8;
	[tilespmem:$0x17580] =	vst v63  }
0x22: {  	s18 =	rddreg [dreg:$0x4]  }
0x23: {  	[tilespmem:s24], [sflag:$0x2] =	stream.linear.gather [hbm4b:s18+s1], $0x80, $0x38;
	[tilespmem:$0x17580] =	vst v63  }
0x24: {  	s28 =	rddreg [dreg:$0x5];
	s13 =	simm.s32 $0x0  }
0x25: {  	[tilespmem:s25], [sflag:$0x2] =	stream.linear.gather [hbm4b:s28+s1], $0x500, $0x38;
	[tilespmem:$0x17580] =	vst v63  }
.LBB2_2:
0x26: {  	_ =	swait.ge [sflag:s26], $0x80  }
0x27: {  	[sflag:s26] =	ssyncset.done $0x0  }
0x28: {  	[sflag:s26] =	ssyncadd.s32 $0xFFFFFF80  }
0x29: {  	_ =	swait.ge [sflag:s26], $0x500  }
0x2a: {  	[sflag:s26] =	ssyncset.done $0x0  }
0x2b: {  	s10 =	simm.s32 $0x1300;
	[sflag:s26] =	ssyncadd.s32 $0xFFFFFB00  }
0x2c: {  	[tilespmem:s10], [sflag:$0x4] =	stream.indirect.gather [hbm4b:s3+s19], $0x20, s24, s19, $0xb8;
	[tilespmem:$0x17580] =	vst v63  }
0x2d: {  	_ = 	snop  }
0x2e: {  	[tilespmem:s30], [sflag:$0x4] =	stream.indirect.gather [hbm4b:s2+s19], $0x20, s29, s19, $0xb8;
	[tilespmem:$0x17580] =	vst v63  }
0x2f: {  	_ = 	snop  }
0x30: {  	[tilespmem:s31], [sflag:$0x4] =	stream.indirect.gather [hbm4b:s2+s22], $0x20, s25, s22, $0xb8;
	[tilespmem:$0x17580] =	vst v63  }
0x31: {  	_ =	swait.ge [sflag:s0], $0x800  }
0x32: {  	[sflag:s0] =	ssyncset.done $0x0  }
0x33: {  	[sflag:s0] =	ssyncadd.s32 $0xFFFFF800  }
0x34: {  	_ =	swait.ge [sflag:s0], $0x800  }
0x35: {  	[sflag:s0] =	ssyncset.done $0x0  }
0x36: {  	[sflag:s0] =	ssyncadd.s32 $0xFFFFF800  }
0x37: {  	_ =	swait.ge [sflag:s0], $0xA000  }
0x38: {  	[sflag:s0] =	ssyncset.done $0x0  }
0x39: {  	s16 =	simm.s32 $0x0;
	s18 =	simm.s32 $0x0;
	[sflag:s0] =	ssyncadd.s32 $0xFFFF6000  }
.LBB2_3:
0x3a: {  	s10 =	sshra.s32 s16, $0x2  }
0x3b: {  	v0 =	vld [tilespmem:s10+$0xB00]  }
0x3c: {  	v1 =	vld [tilespmem:s10+$0xB10]  }
0x3d: {  	v2 =	vld [tilespmem:s10+$0x1B00]  }
0x3e: {  	v3 =	vld [tilespmem:s10+$0x1B10];
	_ =	sdelay $0x4  }
0x3f: {  	v2 =	vmul.f32 v2, v0;
	v3 =	vmul.f32 v3, v1;
	_ =	sdelay $0x1  }
0x40: {  	v2 =	vadd.f32 v3, v2;
	_ =	sdelay $0x1  }
0x41: {  	(xrf2) =	vadd.scan.msk.f32 $0xffff, v2;
	_ =	sdelay $0x5  }
0x42: {  	v23 =	vmov s18;
	_ =	sdelay $0x3  }
0x43: {  	v24, _, _ =	vpop (xrf2)  }
0x44: {  	[tilespmem:v23+s4+$0x0] =	vst.idx.msk vm0, v24  }
0x45: {  	v3 =	vld [tilespmem:s10+$0x2B00]  }
0x46: {  	v4 =	vld [tilespmem:s10+$0x2B10];
	_ =	sdelay $0x4  }
0x47: {  	v3 =	vmul.f32 v3, v0;
	v4 =	vmul.f32 v4, v1;
	_ =	sdelay $0x1  }
0x48: {  	v3 =	vadd.f32 v4, v3;
	_ =	sdelay $0x1  }
0x49: {  	(xrf2) =	vadd.scan.msk.f32 $0xffff, v3;
	_ =	sdelay $0x9  }
0x4a: {  	v3, _, _ =	vpop (xrf2)  }
0x4b: {  	[tilespmem:v23+s20+$0x0] =	vst.idx.msk vm0, v3  }
0x4c: {  	v3 =	vld [tilespmem:s10+$0x3300]  }
0x4d: {  	v25 =	vld [tilespmem:s10+$0x3310];
	_ =	sdelay $0x4  }
0x4e: {  	v3 =	vmul.f32 v3, v0;
	v4 =	vmul.f32 v25, v1;
	_ =	sdelay $0x1  }
0x4f: {  	v3 =	vadd.f32 v4, v3;
	_ =	sdelay $0x1  }
0x50: {  	(xrf2) =	vadd.scan.msk.f32 $0xffff, v3;
	_ =	sdelay $0x4  }
0x51: {  	v2 =	vand.u32 $0x3F, v23  }
0x52: {  	v26 =	vor.u32 $0x40, v2;
	_ =	sdelay $0x3  }
0x53: {  	v27, _, _ =	vpop (xrf2)  }
0x54: {  	[tilespmem:v26+s20+$0x0] =	vst.idx.msk vm0, v27  }
0x55: {  	v3 =	vld [tilespmem:s10+$0x3B00]  }
0x56: {  	v4 =	vld [tilespmem:s10+$0x3B10];
	_ =	sdelay $0x4  }
0x57: {  	v3 =	vmul.f32 v3, v0;
	v4 =	vmul.f32 v4, v1;
	_ =	sdelay $0x1  }
0x58: {  	v3 =	vadd.f32 v4, v3;
	_ =	sdelay $0x1  }
0x59: {  	(xrf2) =	vadd.scan.msk.f32 $0xffff, v3;
	_ =	sdelay $0x5  }
0x5a: {  	v28 =	vor.u32 $0x80, v2;
	_ =	sdelay $0x3  }
0x5b: {  	v29, _, _ =	vpop (xrf2)  }
0x5c: {  	[tilespmem:v28+s20+$0x0] =	vst.idx.msk vm0, v29  }
0x5d: {  	v3 =	vld [tilespmem:s10+$0x4300]  }
0x5e: {  	v4 =	vld [tilespmem:s10+$0x4310];
	_ =	sdelay $0x4  }
0x5f: {  	v3 =	vmul.f32 v3, v0;
	v4 =	vmul.f32 v4, v1;
	_ =	sdelay $0x1  }
0x60: {  	v3 =	vadd.f32 v4, v3;
	_ =	sdelay $0x1  }
0x61: {  	(xrf2) =	vadd.scan.msk.f32 $0xffff, v3;
	_ =	sdelay $0x5  }
0x62: {  	v30 =	vor.u32 $0xC0, v2;
	_ =	sdelay $0x3  }
0x63: {  	v31, _, _ =	vpop (xrf2)  }
0x64: {  	[tilespmem:v30+s20+$0x0] =	vst.idx.msk vm0, v31  }
0x65: {  	v3 =	vld [tilespmem:s10+$0x4B00]  }
0x66: {  	v4 =	vld [tilespmem:s10+$0x4B10];
	_ =	sdelay $0x4  }
0x67: {  	v3 =	vmul.f32 v3, v0;
	v4 =	vmul.f32 v4, v1;
	_ =	sdelay $0x1  }
0x68: {  	v3 =	vadd.f32 v4, v3;
	_ =	sdelay $0x1  }
0x69: {  	(xrf2) =	vadd.scan.msk.f32 $0xffff, v3;
	_ =	sdelay $0x5  }
0x6a: {  	v32 =	vor.u32 $0x100, v2;
	_ =	sdelay $0x3  }
0x6b: {  	v33, _, _ =	vpop (xrf2)  }
0x6c: {  	[tilespmem:v32+s20+$0x0] =	vst.idx.msk vm0, v33  }
0x6d: {  	v3 =	vld [tilespmem:s10+$0x5300]  }
0x6e: {  	v4 =	vld [tilespmem:s10+$0x5310];
	_ =	sdelay $0x4  }
0x6f: {  	v3 =	vmul.f32 v3, v0;
	v4 =	vmul.f32 v4, v1;
	_ =	sdelay $0x1  }
0x70: {  	v3 =	vadd.f32 v4, v3;
	_ =	sdelay $0x1  }
0x71: {  	(xrf2) =	vadd.scan.msk.f32 $0xffff, v3;
	_ =	sdelay $0x5  }
0x72: {  	v34 =	vor.u32 $0x140, v2;
	_ =	sdelay $0x3  }
0x73: {  	v35, _, _ =	vpop (xrf2)  }
0x74: {  	[tilespmem:v34+s20+$0x0] =	vst.idx.msk vm0, v35  }
0x75: {  	v3 =	vld [tilespmem:s10+$0x5B00]  }
0x76: {  	v4 =	vld [tilespmem:s10+$0x5B10];
	_ =	sdelay $0x4  }
0x77: {  	v3 =	vmul.f32 v3, v0;
	v4 =	vmul.f32 v4, v1;
	_ =	sdelay $0x1  }
0x78: {  	v3 =	vadd.f32 v4, v3;
	_ =	sdelay $0x1  }
0x79: {  	(xrf2) =	vadd.scan.msk.f32 $0xffff, v3;
	_ =	sdelay $0x5  }
0x7a: {  	v36 =	vor.u32 $0x180, v2;
	_ =	sdelay $0x3  }
0x7b: {  	v37, _, _ =	vpop (xrf2)  }
0x7c: {  	[tilespmem:v36+s20+$0x0] =	vst.idx.msk vm0, v37  }
0x7d: {  	v3 =	vld [tilespmem:s10+$0x6300]  }
0x7e: {  	v4 =	vld [tilespmem:s10+$0x6310];
	_ =	sdelay $0x4  }
0x7f: {  	v3 =	vmul.f32 v3, v0;
	v4 =	vmul.f32 v4, v1;
	_ =	sdelay $0x1  }
0x80: {  	v3 =	vadd.f32 v4, v3;
	_ =	sdelay $0x1  }
0x81: {  	(xrf2) =	vadd.scan.msk.f32 $0xffff, v3;
	_ =	sdelay $0x5  }
0x82: {  	v38 =	vor.u32 $0x1C0, v2;
	_ =	sdelay $0x3  }
0x83: {  	v39, _, _ =	vpop (xrf2)  }
0x84: {  	[tilespmem:v38+s20+$0x0] =	vst.idx.msk vm0, v39  }
0x85: {  	v3 =	vld [tilespmem:s10+$0x6B00]  }
0x86: {  	v4 =	vld [tilespmem:s10+$0x6B10];
	_ =	sdelay $0x4  }
0x87: {  	v3 =	vmul.f32 v3, v0;
	v4 =	vmul.f32 v4, v1;
	_ =	sdelay $0x1  }
0x88: {  	v3 =	vadd.f32 v4, v3;
	_ =	sdelay $0x1  }
0x89: {  	(xrf2) =	vadd.scan.msk.f32 $0xffff, v3;
	_ =	sdelay $0x5  }
0x8a: {  	v40 =	vor.u32 $0x200, v2;
	_ =	sdelay $0x3  }
0x8b: {  	v41, _, _ =	vpop (xrf2)  }
0x8c: {  	[tilespmem:v40+s20+$0x0] =	vst.idx.msk vm0, v41  }
0x8d: {  	v3 =	vld [tilespmem:s10+$0x7300]  }
0x8e: {  	v4 =	vld [tilespmem:s10+$0x7310];
	_ =	sdelay $0x4  }
0x8f: {  	v3 =	vmul.f32 v3, v0;
	v4 =	vmul.f32 v4, v1;
	_ =	sdelay $0x1  }
0x90: {  	v3 =	vadd.f32 v4, v3;
	_ =	sdelay $0x1  }
0x91: {  	(xrf2) =	vadd.scan.msk.f32 $0xffff, v3;
	_ =	sdelay $0x5  }
0x92: {  	v42 =	vor.u32 $0x240, v2;
	_ =	sdelay $0x3  }
0x93: {  	v43, _, _ =	vpop (xrf2)  }
0x94: {  	[tilespmem:v42+s20+$0x0] =	vst.idx.msk vm0, v43  }
0x95: {  	v3 =	vld [tilespmem:s10+$0x7B00]  }
0x96: {  	v4 =	vld [tilespmem:s10+$0x7B10];
	_ =	sdelay $0x4  }
0x97: {  	v3 =	vmul.f32 v3, v0;
	v4 =	vmul.f32 v4, v1;
	_ =	sdelay $0x1  }
0x98: {  	v3 =	vadd.f32 v4, v3;
	_ =	sdelay $0x1  }
0x99: {  	(xrf2) =	vadd.scan.msk.f32 $0xffff, v3;
	_ =	sdelay $0x5  }
0x9a: {  	v44 =	vor.u32 $0x280, v2;
	_ =	sdelay $0x3  }
0x9b: {  	v45, _, _ =	vpop (xrf2)  }
0x9c: {  	[tilespmem:v44+s20+$0x0] =	vst.idx.msk vm0, v45  }
0x9d: {  	v3 =	vld [tilespmem:s10+$0x8300]  }
0x9e: {  	v4 =	vld [tilespmem:s10+$0x8310];
	_ =	sdelay $0x4  }
0x9f: {  	v3 =	vmul.f32 v3, v0;
	v4 =	vmul.f32 v4, v1;
	_ =	sdelay $0x1  }
0xa0: {  	v3 =	vadd.f32 v4, v3;
	_ =	sdelay $0x1  }
0xa1: {  	(xrf2) =	vadd.scan.msk.f32 $0xffff, v3;
	_ =	sdelay $0x5  }
0xa2: {  	v46 =	vor.u32 $0x2C0, v2;
	_ =	sdelay $0x3  }
0xa3: {  	v47, _, _ =	vpop (xrf2)  }
0xa4: {  	[tilespmem:v46+s20+$0x0] =	vst.idx.msk vm0, v47  }
0xa5: {  	v3 =	vld [tilespmem:s10+$0x8B00]  }
0xa6: {  	v4 =	vld [tilespmem:s10+$0x8B10];
	_ =	sdelay $0x4  }
0xa7: {  	v3 =	vmul.f32 v3, v0;
	v4 =	vmul.f32 v4, v1;
	_ =	sdelay $0x1  }
0xa8: {  	v3 =	vadd.f32 v4, v3;
	_ =	sdelay $0x1  }
0xa9: {  	(xrf2) =	vadd.scan.msk.f32 $0xffff, v3;
	_ =	sdelay $0x5  }
0xaa: {  	v48 =	vor.u32 $0x300, v2;
	_ =	sdelay $0x3  }
0xab: {  	v49, _, _ =	vpop (xrf2)  }
0xac: {  	[tilespmem:v48+s20+$0x0] =	vst.idx.msk vm0, v49  }
0xad: {  	v3 =	vld [tilespmem:s10+$0x9300]  }
0xae: {  	v4 =	vld [tilespmem:s10+$0x9310];
	_ =	sdelay $0x4  }
0xaf: {  	v3 =	vmul.f32 v3, v0;
	v4 =	vmul.f32 v4, v1;
	_ =	sdelay $0x1  }
0xb0: {  	v3 =	vadd.f32 v4, v3;
	_ =	sdelay $0x1  }
0xb1: {  	(xrf2) =	vadd.scan.msk.f32 $0xffff, v3;
	_ =	sdelay $0x5  }
0xb2: {  	v50 =	vor.u32 $0x340, v2;
	_ =	sdelay $0x3  }
0xb3: {  	v51, _, _ =	vpop (xrf2)  }
0xb4: {  	[tilespmem:v50+s20+$0x0] =	vst.idx.msk vm0, v51  }
0xb5: {  	v3 =	vld [tilespmem:s10+$0x9B00]  }
0xb6: {  	v4 =	vld [tilespmem:s10+$0x9B10];
	_ =	sdelay $0x4  }
0xb7: {  	v3 =	vmul.f32 v3, v0;
	v4 =	vmul.f32 v4, v1;
	_ =	sdelay $0x1  }
0xb8: {  	v3 =	vadd.f32 v4, v3;
	_ =	sdelay $0x1  }
0xb9: {  	(xrf2) =	vadd.scan.msk.f32 $0xffff, v3;
	_ =	sdelay $0x5  }
0xba: {  	v52 =	vor.u32 $0x380, v2;
	_ =	sdelay $0x3  }
0xbb: {  	v53, _, _ =	vpop (xrf2)  }
0xbc: {  	[tilespmem:v52+s20+$0x0] =	vst.idx.msk vm0, v53  }
0xbd: {  	v3 =	vld [tilespmem:s10+$0xA300]  }
0xbe: {  	v4 =	vld [tilespmem:s10+$0xA310];
	_ =	sdelay $0x4  }
0xbf: {  	v3 =	vmul.f32 v3, v0;
	v4 =	vmul.f32 v4, v1;
	_ =	sdelay $0x1  }
0xc0: {  	v3 =	vadd.f32 v4, v3;
	_ =	sdelay $0x1  }
0xc1: {  	(xrf2) =	vadd.scan.msk.f32 $0xffff, v3;
	_ =	sdelay $0x5  }
0xc2: {  	v54 =	vor.u32 $0x3C0, v2;
	_ =	sdelay $0x3  }
0xc3: {  	v55, _, _ =	vpop (xrf2)  }
0xc4: {  	[tilespmem:v54+s20+$0x0] =	vst.idx.msk vm0, v55  }
0xc5: {  	v3 =	vld [tilespmem:s10+$0xAB00]  }
0xc6: {  	v4 =	vld [tilespmem:s10+$0xAB10];
	_ =	sdelay $0x4  }
0xc7: {  	v3 =	vmul.f32 v3, v0;
	v4 =	vmul.f32 v4, v1;
	_ =	sdelay $0x1  }
0xc8: {  	v3 =	vadd.f32 v4, v3;
	_ =	sdelay $0x1  }
0xc9: {  	(xrf2) =	vadd.scan.msk.f32 $0xffff, v3;
	_ =	sdelay $0x5  }
0xca: {  	v56 =	vor.u32 $0x400, v2;
	_ =	sdelay $0x3  }
0xcb: {  	v57, _, _ =	vpop (xrf2)  }
0xcc: {  	[tilespmem:v56+s20+$0x0] =	vst.idx.msk vm0, v57  }
0xcd: {  	v3 =	vld [tilespmem:s10+$0xB300]  }
0xce: {  	v4 =	vld [tilespmem:s10+$0xB310];
	_ =	sdelay $0x4  }
0xcf: {  	v3 =	vmul.f32 v3, v0;
	v4 =	vmul.f32 v4, v1;
	_ =	sdelay $0x1  }
0xd0: {  	v3 =	vadd.f32 v4, v3;
	_ =	sdelay $0x1  }
0xd1: {  	(xrf2) =	vadd.scan.msk.f32 $0xffff, v3;
	_ =	sdelay $0x5  }
0xd2: {  	v58 =	vor.u32 $0x440, v2;
	_ =	sdelay $0x3  }
0xd3: {  	v59, _, _ =	vpop (xrf2)  }
0xd4: {  	[tilespmem:v58+s20+$0x0] =	vst.idx.msk vm0, v59  }
0xd5: {  	v3 =	vld [tilespmem:s10+$0xBB00]  }
0xd6: {  	v4 =	vld [tilespmem:s10+$0xBB10];
	_ =	sdelay $0x4  }
0xd7: {  	v3 =	vmul.f32 v3, v0;
	v4 =	vmul.f32 v4, v1;
	_ =	sdelay $0x1  }
0xd8: {  	v3 =	vadd.f32 v4, v3;
	_ =	sdelay $0x1  }
0xd9: {  	(xrf2) =	vadd.scan.msk.f32 $0xffff, v3;
	_ =	sdelay $0x5  }
0xda: {  	v60 =	vor.u32 $0x480, v2;
	_ =	sdelay $0x3  }
0xdb: {  	v61, _, _ =	vpop (xrf2)  }
0xdc: {  	[tilespmem:v60+s20+$0x0] =	vst.idx.msk vm0, v61  }
0xdd: {  	v3 =	vld [tilespmem:s10+$0xC300]  }
0xde: {  	v4 =	vld [tilespmem:s10+$0xC310];
	_ =	sdelay $0x4  }
0xdf: {  	v0 =	vmul.f32 v3, v0;
	v1 =	vmul.f32 v4, v1;
	_ =	sdelay $0x1  }
0xe0: {  	v0 =	vadd.f32 v1, v0;
	_ =	sdelay $0x1  }
0xe1: {  	(xrf2) =	vadd.scan.msk.f32 $0xffff, v0;
	_ =	sdelay $0x5  }
0xe2: {  	p0 =	sne.s32 s16, $0x1F80;
	v62 =	vor.u32 $0x4C0, v2  }
.Ltmp0:
0xe3: {  	_ = 	snop;
	(pc) =	sbr.rel @p0 .LBB2_3-.Ltmp0, $3  }
0xe4: {  	_ =	sdelay $0x1  }
0xe5: {  	v63, _, _ =	vpop (xrf2)  }
0xe6: {  	s18 =	sadd.s32 $0x1, s18;
	s16 =	sadd.s32 $0x80, s16;
	[tilespmem:v62+s20+$0x0] =	vst.idx.msk vm0, v63  }
0xe7: {  	p0 =	seq.s32 s13, $0x0  }
0xe8: {  	s10 =	simm.s32 @!p0 $0x5  }
0xe9: {  	_ =	swait.ge @!p0 [sflag:s10], $0x40  }
0xea: {  	[sflag:s10] =	ssyncset.done @!p0 $0x0  }
0xeb: {  	s11 =	sshll.u32 s13, $0x1;
	[sflag:s10] =	ssyncadd.s32 @!p0 $0xFFFFFFC0  }
0xec: {  	p1 =	seq.s32 s13, $0x3;
	s16 =	sor.u32 s9, s11;
	_ =	swait.ge @!p0 [sflag:s10], $0x500  }
0xed: {  	s18 =	sshll.u32 s16, $0x3;
	s12 =	smul.u32 $0xA0, s16;
	[sflag:s10] =	ssyncset.done @!p0 $0x0  }
0xee: {  	s28 =	sadd.s32 s7, s18;
	[sflag:s10] =	ssyncadd.s32 @!p0 $0xFFFFFB00;
	s10 =	sadd.s32 @!p1 s11, s14  }
0xef: {  	[hbm4b:s28+s1] =	stream.linear.scatter [tilespmem:s4], [sflag:$0x5], $0x40, $0x38;
	[tilespmem:$0x17580] =	vst v63  }
0xf0: {  	s28 =	sadd.s32 s8, s12;
	s18 =	sshll.u32 @!p1 s10, $0x4  }
0xf1: {  	[hbm4b:s28+s1] =	stream.linear.scatter [tilespmem:s20], [sflag:$0x5], $0x500, $0x38;
	[tilespmem:$0x17580] =	vst v63  }
0xf2: {  	s12 =	simm.s32 @!p1 $0x0;
	s10 =	smul.u32 @!p1 $0xA0, s10;
	s18 =	sadd.s32 @!p1 s5, s18  }
0xf3: {  	[tilespmem:s12], [sflag:$0x1] =	stream.linear.gather @!p1 [hbm4b:s18+s12], $0x80, $0x38;
	[tilespmem:$0x17580] =	vst v63  }
0xf4: {  	s10 =	sadd.s32 @!p1 s6, s10;
	s18 =	simm.s32 @!p1 $0x100  }
0xf5: {  	[tilespmem:s18], [sflag:$0x1] =	stream.linear.gather @!p1 [hbm4b:s10+s12], $0x500, $0x38;
	[tilespmem:$0x17580] =	vst v63  }
0xf6: {  	s10 =	simm.s32 @!p1 $0x1  }
0xf7: {  	_ =	swait.ge @!p1 [sflag:s10], $0x80  }
0xf8: {  	[sflag:s10] =	ssyncset.done @!p1 $0x0  }
0xf9: {  	[sflag:s10] =	ssyncadd.s32 @!p1 $0xFFFFFF80  }
0xfa: {  	_ =	swait.ge @!p1 [sflag:s10], $0x500  }
0xfb: {  	[sflag:s10] =	ssyncset.done @!p1 $0x0  }
0xfc: {  	s28 =	simm.s32 @!p1 $0xB00;
	[sflag:s10] =	ssyncadd.s32 @!p1 $0xFFFFFB00;
	s10 =	simm.s32 @!p1 $0x40  }
0xfd: {  	[tilespmem:s28], [sflag:$0x3] =	stream.indirect.gather @!p1 [hbm4b:s3+s10], $0x20, s12, s10, $0xb8;
	[tilespmem:$0x17580] =	vst v63  }
0xfe: {  	s28 =	simm.s32 @!p1 $0x1B00  }
0xff: {  	[tilespmem:s28], [sflag:$0x3] =	stream.indirect.gather @!p1 [hbm4b:s2+s10], $0x20, s10, s10, $0xb8;
	[tilespmem:$0x17580] =	vst v63  }
0x100: {  	s10 =	simm.s32 @!p1 $0x500;
	s28 =	simm.s32 @!p1 $0x2B00  }
0x101: {  	[tilespmem:s28], [sflag:$0x3] =	stream.indirect.gather @!p1 [hbm4b:s2+s10], $0x20, s18, s10, $0xb8;
	[tilespmem:$0x17580] =	vst v63  }
0x102: {  	s10 =	sadd.s32 @!p1 s11, s15  }
0x103: {  	s11 =	sshll.u32 @!p1 s10, $0x4  }
0x104: {  	s18 =	simm.s32 @!p1 $0x80;
	s10 =	smul.u32 @!p1 $0xA0, s10;
	s11 =	sadd.s32 @!p1 s5, s11  }
0x105: {  	[tilespmem:s18], [sflag:$0x2] =	stream.linear.gather @!p1 [hbm4b:s11+s12], $0x80, $0x38;
	[tilespmem:$0x17580] =	vst v63  }
0x106: {  	s10 =	sadd.s32 @!p1 s6, s10;
	s11 =	simm.s32 @!p1 $0x600  }
0x107: {  	[tilespmem:s11], [sflag:$0x2] =	stream.linear.gather @!p1 [hbm4b:s10+s12], $0x500, $0x38;
	[tilespmem:$0x17580] =	vst v63  }
0x108: {  	_ =	swait.ge [sflag:s21], $0x800  }
0x109: {  	[sflag:s21] =	ssyncset.done $0x0  }
0x10a: {  	[sflag:s21] =	ssyncadd.s32 $0xFFFFF800  }
0x10b: {  	_ =	swait.ge [sflag:s21], $0x800  }
0x10c: {  	[sflag:s21] =	ssyncset.done $0x0  }
0x10d: {  	[sflag:s21] =	ssyncadd.s32 $0xFFFFF800  }
0x10e: {  	_ =	swait.ge [sflag:s21], $0xA000  }
0x10f: {  	[sflag:s21] =	ssyncset.done $0x0  }
0x110: {  	s18 =	simm.s32 $0x0;
	s10 =	simm.s32 $0x0;
	[sflag:s21] =	ssyncadd.s32 $0xFFFF6000  }
.LBB2_5:
0x111: {  	s11 =	sshra.s32 s18, $0x2  }
0x112: {  	v0 =	vld [tilespmem:s11+$0x1300]  }
0x113: {  	v1 =	vld [tilespmem:s11+$0x1310]  }
0x114: {  	v2 =	vld [tilespmem:s11+$0x2300]  }
0x115: {  	v3 =	vld [tilespmem:s11+$0x2310];
	_ =	sdelay $0x4  }
0x116: {  	v2 =	vmul.f32 v2, v0;
	v3 =	vmul.f32 v3, v1;
	_ =	sdelay $0x1  }
0x117: {  	v2 =	vadd.f32 v3, v2;
	_ =	sdelay $0x1  }
0x118: {  	(xrf2) =	vadd.scan.msk.f32 $0xffff, v2;
	_ =	sdelay $0x5  }
0x119: {  	v23 =	vmov s10;
	_ =	sdelay $0x3  }
0x11a: {  	v24, _, _ =	vpop (xrf2)  }
0x11b: {  	[tilespmem:v23+s23+$0x0] =	vst.idx.msk vm0, v24  }
0x11c: {  	v3 =	vld [tilespmem:s11+$0xCB00]  }
0x11d: {  	v4 =	vld [tilespmem:s11+$0xCB10];
	_ =	sdelay $0x4  }
0x11e: {  	v3 =	vmul.f32 v3, v0;
	v4 =	vmul.f32 v4, v1;
	_ =	sdelay $0x1  }
0x11f: {  	v3 =	vadd.f32 v4, v3;
	_ =	sdelay $0x1  }
0x120: {  	(xrf2) =	vadd.scan.msk.f32 $0xffff, v3;
	_ =	sdelay $0x9  }
0x121: {  	v3, _, _ =	vpop (xrf2)  }
0x122: {  	[tilespmem:v23+s17+$0x0] =	vst.idx.msk vm0, v3  }
0x123: {  	v3 =	vld [tilespmem:s11+$0xD300]  }
0x124: {  	v25 =	vld [tilespmem:s11+$0xD310];
	_ =	sdelay $0x4  }
0x125: {  	v3 =	vmul.f32 v3, v0;
	v4 =	vmul.f32 v25, v1;
	_ =	sdelay $0x1  }
0x126: {  	v3 =	vadd.f32 v4, v3;
	_ =	sdelay $0x1  }
0x127: {  	(xrf2) =	vadd.scan.msk.f32 $0xffff, v3;
	_ =	sdelay $0x4  }
0x128: {  	v2 =	vand.u32 $0x3F, v23  }
0x129: {  	v26 =	vor.u32 $0x40, v2;
	_ =	sdelay $0x3  }
0x12a: {  	v27, _, _ =	vpop (xrf2)  }
0x12b: {  	[tilespmem:v26+s17+$0x0] =	vst.idx.msk vm0, v27  }
0x12c: {  	v3 =	vld [tilespmem:s11+$0xDB00]  }
0x12d: {  	v4 =	vld [tilespmem:s11+$0xDB10];
	_ =	sdelay $0x4  }
0x12e: {  	v3 =	vmul.f32 v3, v0;
	v4 =	vmul.f32 v4, v1;
	_ =	sdelay $0x1  }
0x12f: {  	v3 =	vadd.f32 v4, v3;
	_ =	sdelay $0x1  }
0x130: {  	(xrf2) =	vadd.scan.msk.f32 $0xffff, v3;
	_ =	sdelay $0x5  }
0x131: {  	v28 =	vor.u32 $0x80, v2;
	_ =	sdelay $0x3  }
0x132: {  	v29, _, _ =	vpop (xrf2)  }
0x133: {  	[tilespmem:v28+s17+$0x0] =	vst.idx.msk vm0, v29  }
0x134: {  	v3 =	vld [tilespmem:s11+$0xE300]  }
0x135: {  	v4 =	vld [tilespmem:s11+$0xE310];
	_ =	sdelay $0x4  }
0x136: {  	v3 =	vmul.f32 v3, v0;
	v4 =	vmul.f32 v4, v1;
	_ =	sdelay $0x1  }
0x137: {  	v3 =	vadd.f32 v4, v3;
	_ =	sdelay $0x1  }
0x138: {  	(xrf2) =	vadd.scan.msk.f32 $0xffff, v3;
	_ =	sdelay $0x5  }
0x139: {  	v30 =	vor.u32 $0xC0, v2;
	_ =	sdelay $0x3  }
0x13a: {  	v31, _, _ =	vpop (xrf2)  }
0x13b: {  	[tilespmem:v30+s17+$0x0] =	vst.idx.msk vm0, v31  }
0x13c: {  	v3 =	vld [tilespmem:s11+$0xEB00]  }
0x13d: {  	v4 =	vld [tilespmem:s11+$0xEB10];
	_ =	sdelay $0x4  }
0x13e: {  	v3 =	vmul.f32 v3, v0;
	v4 =	vmul.f32 v4, v1;
	_ =	sdelay $0x1  }
0x13f: {  	v3 =	vadd.f32 v4, v3;
	_ =	sdelay $0x1  }
0x140: {  	(xrf2) =	vadd.scan.msk.f32 $0xffff, v3;
	_ =	sdelay $0x5  }
0x141: {  	v32 =	vor.u32 $0x100, v2;
	_ =	sdelay $0x3  }
0x142: {  	v33, _, _ =	vpop (xrf2)  }
0x143: {  	[tilespmem:v32+s17+$0x0] =	vst.idx.msk vm0, v33  }
0x144: {  	v3 =	vld [tilespmem:s11+$0xF300]  }
0x145: {  	v4 =	vld [tilespmem:s11+$0xF310];
	_ =	sdelay $0x4  }
0x146: {  	v3 =	vmul.f32 v3, v0;
	v4 =	vmul.f32 v4, v1;
	_ =	sdelay $0x1  }
0x147: {  	v3 =	vadd.f32 v4, v3;
	_ =	sdelay $0x1  }
0x148: {  	(xrf2) =	vadd.scan.msk.f32 $0xffff, v3;
	_ =	sdelay $0x5  }
0x149: {  	v34 =	vor.u32 $0x140, v2;
	_ =	sdelay $0x3  }
0x14a: {  	v35, _, _ =	vpop (xrf2)  }
0x14b: {  	[tilespmem:v34+s17+$0x0] =	vst.idx.msk vm0, v35  }
0x14c: {  	v3 =	vld [tilespmem:s11+$0xFB00]  }
0x14d: {  	v4 =	vld [tilespmem:s11+$0xFB10];
	_ =	sdelay $0x4  }
0x14e: {  	v3 =	vmul.f32 v3, v0;
	v4 =	vmul.f32 v4, v1;
	_ =	sdelay $0x1  }
0x14f: {  	v3 =	vadd.f32 v4, v3;
	_ =	sdelay $0x1  }
0x150: {  	(xrf2) =	vadd.scan.msk.f32 $0xffff, v3;
	_ =	sdelay $0x5  }
0x151: {  	v36 =	vor.u32 $0x180, v2;
	_ =	sdelay $0x3  }
0x152: {  	v37, _, _ =	vpop (xrf2)  }
0x153: {  	[tilespmem:v36+s17+$0x0] =	vst.idx.msk vm0, v37  }
0x154: {  	v3 =	vld [tilespmem:s11+$0x10300]  }
0x155: {  	v4 =	vld [tilespmem:s11+$0x10310];
	_ =	sdelay $0x4  }
0x156: {  	v3 =	vmul.f32 v3, v0;
	v4 =	vmul.f32 v4, v1;
	_ =	sdelay $0x1  }
0x157: {  	v3 =	vadd.f32 v4, v3;
	_ =	sdelay $0x1  }
0x158: {  	(xrf2) =	vadd.scan.msk.f32 $0xffff, v3;
	_ =	sdelay $0x5  }
0x159: {  	v38 =	vor.u32 $0x1C0, v2;
	_ =	sdelay $0x3  }
0x15a: {  	v39, _, _ =	vpop (xrf2)  }
0x15b: {  	[tilespmem:v38+s17+$0x0] =	vst.idx.msk vm0, v39  }
0x15c: {  	v3 =	vld [tilespmem:s11+$0x10B00]  }
0x15d: {  	v4 =	vld [tilespmem:s11+$0x10B10];
	_ =	sdelay $0x4  }
0x15e: {  	v3 =	vmul.f32 v3, v0;
	v4 =	vmul.f32 v4, v1;
	_ =	sdelay $0x1  }
0x15f: {  	v3 =	vadd.f32 v4, v3;
	_ =	sdelay $0x1  }
0x160: {  	(xrf2) =	vadd.scan.msk.f32 $0xffff, v3;
	_ =	sdelay $0x5  }
0x161: {  	v40 =	vor.u32 $0x200, v2;
	_ =	sdelay $0x3  }
0x162: {  	v41, _, _ =	vpop (xrf2)  }
0x163: {  	[tilespmem:v40+s17+$0x0] =	vst.idx.msk vm0, v41  }
0x164: {  	v3 =	vld [tilespmem:s11+$0x11300]  }
0x165: {  	v4 =	vld [tilespmem:s11+$0x11310];
	_ =	sdelay $0x4  }
0x166: {  	v3 =	vmul.f32 v3, v0;
	v4 =	vmul.f32 v4, v1;
	_ =	sdelay $0x1  }
0x167: {  	v3 =	vadd.f32 v4, v3;
	_ =	sdelay $0x1  }
0x168: {  	(xrf2) =	vadd.scan.msk.f32 $0xffff, v3;
	_ =	sdelay $0x5  }
0x169: {  	v42 =	vor.u32 $0x240, v2;
	_ =	sdelay $0x3  }
0x16a: {  	v43, _, _ =	vpop (xrf2)  }
0x16b: {  	[tilespmem:v42+s17+$0x0] =	vst.idx.msk vm0, v43  }
0x16c: {  	v3 =	vld [tilespmem:s11+$0x11B00]  }
0x16d: {  	v4 =	vld [tilespmem:s11+$0x11B10];
	_ =	sdelay $0x4  }
0x16e: {  	v3 =	vmul.f32 v3, v0;
	v4 =	vmul.f32 v4, v1;
	_ =	sdelay $0x1  }
0x16f: {  	v3 =	vadd.f32 v4, v3;
	_ =	sdelay $0x1  }
0x170: {  	(xrf2) =	vadd.scan.msk.f32 $0xffff, v3;
	_ =	sdelay $0x5  }
0x171: {  	v44 =	vor.u32 $0x280, v2;
	_ =	sdelay $0x3  }
0x172: {  	v45, _, _ =	vpop (xrf2)  }
0x173: {  	[tilespmem:v44+s17+$0x0] =	vst.idx.msk vm0, v45  }
0x174: {  	v3 =	vld [tilespmem:s11+$0x12300]  }
0x175: {  	v4 =	vld [tilespmem:s11+$0x12310];
	_ =	sdelay $0x4  }
0x176: {  	v3 =	vmul.f32 v3, v0;
	v4 =	vmul.f32 v4, v1;
	_ =	sdelay $0x1  }
0x177: {  	v3 =	vadd.f32 v4, v3;
	_ =	sdelay $0x1  }
0x178: {  	(xrf2) =	vadd.scan.msk.f32 $0xffff, v3;
	_ =	sdelay $0x5  }
0x179: {  	v46 =	vor.u32 $0x2C0, v2;
	_ =	sdelay $0x3  }
0x17a: {  	v47, _, _ =	vpop (xrf2)  }
0x17b: {  	[tilespmem:v46+s17+$0x0] =	vst.idx.msk vm0, v47  }
0x17c: {  	v3 =	vld [tilespmem:s11+$0x12B00]  }
0x17d: {  	v4 =	vld [tilespmem:s11+$0x12B10];
	_ =	sdelay $0x4  }
0x17e: {  	v3 =	vmul.f32 v3, v0;
	v4 =	vmul.f32 v4, v1;
	_ =	sdelay $0x1  }
0x17f: {  	v3 =	vadd.f32 v4, v3;
	_ =	sdelay $0x1  }
0x180: {  	(xrf2) =	vadd.scan.msk.f32 $0xffff, v3;
	_ =	sdelay $0x5  }
0x181: {  	v48 =	vor.u32 $0x300, v2;
	_ =	sdelay $0x3  }
0x182: {  	v49, _, _ =	vpop (xrf2)  }
0x183: {  	[tilespmem:v48+s17+$0x0] =	vst.idx.msk vm0, v49  }
0x184: {  	v3 =	vld [tilespmem:s11+$0x13300]  }
0x185: {  	v4 =	vld [tilespmem:s11+$0x13310];
	_ =	sdelay $0x4  }
0x186: {  	v3 =	vmul.f32 v3, v0;
	v4 =	vmul.f32 v4, v1;
	_ =	sdelay $0x1  }
0x187: {  	v3 =	vadd.f32 v4, v3;
	_ =	sdelay $0x1  }
0x188: {  	(xrf2) =	vadd.scan.msk.f32 $0xffff, v3;
	_ =	sdelay $0x5  }
0x189: {  	v50 =	vor.u32 $0x340, v2;
	_ =	sdelay $0x3  }
0x18a: {  	v51, _, _ =	vpop (xrf2)  }
0x18b: {  	[tilespmem:v50+s17+$0x0] =	vst.idx.msk vm0, v51  }
0x18c: {  	v3 =	vld [tilespmem:s11+$0x13B00]  }
0x18d: {  	v4 =	vld [tilespmem:s11+$0x13B10];
	_ =	sdelay $0x4  }
0x18e: {  	v3 =	vmul.f32 v3, v0;
	v4 =	vmul.f32 v4, v1;
	_ =	sdelay $0x1  }
0x18f: {  	v3 =	vadd.f32 v4, v3;
	_ =	sdelay $0x1  }
0x190: {  	(xrf2) =	vadd.scan.msk.f32 $0xffff, v3;
	_ =	sdelay $0x5  }
0x191: {  	v52 =	vor.u32 $0x380, v2;
	_ =	sdelay $0x3  }
0x192: {  	v53, _, _ =	vpop (xrf2)  }
0x193: {  	[tilespmem:v52+s17+$0x0] =	vst.idx.msk vm0, v53  }
0x194: {  	v3 =	vld [tilespmem:s11+$0x14300]  }
0x195: {  	v4 =	vld [tilespmem:s11+$0x14310];
	_ =	sdelay $0x4  }
0x196: {  	v3 =	vmul.f32 v3, v0;
	v4 =	vmul.f32 v4, v1;
	_ =	sdelay $0x1  }
0x197: {  	v3 =	vadd.f32 v4, v3;
	_ =	sdelay $0x1  }
0x198: {  	(xrf2) =	vadd.scan.msk.f32 $0xffff, v3;
	_ =	sdelay $0x5  }
0x199: {  	v54 =	vor.u32 $0x3C0, v2;
	_ =	sdelay $0x3  }
0x19a: {  	v55, _, _ =	vpop (xrf2)  }
0x19b: {  	[tilespmem:v54+s17+$0x0] =	vst.idx.msk vm0, v55  }
0x19c: {  	v3 =	vld [tilespmem:s11+$0x14B00]  }
0x19d: {  	v4 =	vld [tilespmem:s11+$0x14B10];
	_ =	sdelay $0x4  }
0x19e: {  	v3 =	vmul.f32 v3, v0;
	v4 =	vmul.f32 v4, v1;
	_ =	sdelay $0x1  }
0x19f: {  	v3 =	vadd.f32 v4, v3;
	_ =	sdelay $0x1  }
0x1a0: {  	(xrf2) =	vadd.scan.msk.f32 $0xffff, v3;
	_ =	sdelay $0x5  }
0x1a1: {  	v56 =	vor.u32 $0x400, v2;
	_ =	sdelay $0x3  }
0x1a2: {  	v57, _, _ =	vpop (xrf2)  }
0x1a3: {  	[tilespmem:v56+s17+$0x0] =	vst.idx.msk vm0, v57  }
0x1a4: {  	v3 =	vld [tilespmem:s11+$0x15300]  }
0x1a5: {  	v4 =	vld [tilespmem:s11+$0x15310];
	_ =	sdelay $0x4  }
0x1a6: {  	v3 =	vmul.f32 v3, v0;
	v4 =	vmul.f32 v4, v1;
	_ =	sdelay $0x1  }
0x1a7: {  	v3 =	vadd.f32 v4, v3;
	_ =	sdelay $0x1  }
0x1a8: {  	(xrf2) =	vadd.scan.msk.f32 $0xffff, v3;
	_ =	sdelay $0x5  }
0x1a9: {  	v58 =	vor.u32 $0x440, v2;
	_ =	sdelay $0x3  }
0x1aa: {  	v59, _, _ =	vpop (xrf2)  }
0x1ab: {  	[tilespmem:v58+s17+$0x0] =	vst.idx.msk vm0, v59  }
0x1ac: {  	v3 =	vld [tilespmem:s11+$0x15B00]  }
0x1ad: {  	v4 =	vld [tilespmem:s11+$0x15B10];
	_ =	sdelay $0x4  }
0x1ae: {  	v3 =	vmul.f32 v3, v0;
	v4 =	vmul.f32 v4, v1;
	_ =	sdelay $0x1  }
0x1af: {  	v3 =	vadd.f32 v4, v3;
	_ =	sdelay $0x1  }
0x1b0: {  	(xrf2) =	vadd.scan.msk.f32 $0xffff, v3;
	_ =	sdelay $0x5  }
0x1b1: {  	v60 =	vor.u32 $0x480, v2;
	_ =	sdelay $0x3  }
0x1b2: {  	v61, _, _ =	vpop (xrf2)  }
0x1b3: {  	[tilespmem:v60+s17+$0x0] =	vst.idx.msk vm0, v61  }
0x1b4: {  	v3 =	vld [tilespmem:s11+$0x16300]  }
0x1b5: {  	v4 =	vld [tilespmem:s11+$0x16310];
	_ =	sdelay $0x4  }
0x1b6: {  	v0 =	vmul.f32 v3, v0;
	v1 =	vmul.f32 v4, v1;
	_ =	sdelay $0x1  }
0x1b7: {  	v0 =	vadd.f32 v1, v0;
	_ =	sdelay $0x1  }
0x1b8: {  	(xrf2) =	vadd.scan.msk.f32 $0xffff, v0;
	_ =	sdelay $0x5  }
0x1b9: {  	p1 =	sne.s32 s18, $0x1F80;
	v62 =	vor.u32 $0x4C0, v2  }
.Ltmp1:
0x1ba: {  	_ = 	snop;
	(pc) =	sbr.rel @p1 .LBB2_5-.Ltmp1, $3  }
0x1bb: {  	_ =	sdelay $0x1  }
0x1bc: {  	v63, _, _ =	vpop (xrf2)  }
0x1bd: {  	s10 =	sadd.s32 $0x1, s10;
	s18 =	sadd.s32 $0x80, s18;
	[tilespmem:v62+s17+$0x0] =	vst.idx.msk vm0, v63  }
0x1be: {  	s10 =	simm.s32 @!p0 $0x6  }
0x1bf: {  	_ =	swait.ge @!p0 [sflag:s10], $0x40  }
0x1c0: {  	[sflag:s10] =	ssyncset.done @!p0 $0x0  }
0x1c1: {  	[sflag:s10] =	ssyncadd.s32 @!p0 $0xFFFFFFC0  }
0x1c2: {  	_ =	swait.ge @!p0 [sflag:s10], $0x500  }
0x1c3: {  	s13 =	sadd.s32 $0x1, s13;
	[sflag:s10] =	ssyncset.done @!p0 $0x0  }
0x1c4: {  	s11 =	sor.u32 $0x1, s16;
	[sflag:s10] =	ssyncadd.s32 @!p0 $0xFFFFFB00;
	p0 =	sne.s32 s13, $0x4  }
.Ltmp2:
0x1c5: {  	s12 =	sshll.u32 s11, $0x3;
	(pc) =	sbr.rel @p0 .LBB2_2-.Ltmp2, $4  }
0x1c6: {  	s11 =	smul.u32 $0xA0, s11;
	s18 =	sadd.s32 s7, s12  }
0x1c7: {  	[hbm4b:s18+s1] =	stream.linear.scatter [tilespmem:s23], [sflag:$0x6], $0x40, $0x38;
	[tilespmem:$0x17580] =	vst v63  }
0x1c8: {  	s28 =	sadd.s32 s8, s11  }
0x1c9: {  	[hbm4b:s28+s1] =	stream.linear.scatter [tilespmem:s17], [sflag:$0x6], $0x500, $0x38;
	[tilespmem:$0x17580] =	vst v63  }
0x1ca: {  	s10 =	simm.s32 $0x5  }
0x1cb: {  	_ =	swait.ge [sflag:s10], $0x40  }
0x1cc: {  	[sflag:s10] =	ssyncset.done $0x0  }
0x1cd: {  	[sflag:s10] =	ssyncadd.s32 $0xFFFFFFC0  }
0x1ce: {  	_ =	swait.ge [sflag:s10], $0x500  }
0x1cf: {  	[sflag:s10] =	ssyncset.done $0x0  }
0x1d0: {  	s11 =	simm.s32 $0x6;
	[sflag:s10] =	ssyncadd.s32 $0xFFFFFB00  }
0x1d1: {  	_ =	swait.ge [sflag:s11], $0x40  }
0x1d2: {  	[sflag:s11] =	ssyncset.done $0x0  }
0x1d3: {  	[sflag:s11] =	ssyncadd.s32 $0xFFFFFFC0  }
0x1d4: {  	_ =	swait.ge [sflag:s11], $0x500  }
0x1d5: {  	s12 =	rddreg [dreg:$0x7]  }
0x1d6: {  	s28 =	rddreg [dreg:$0x6];
	s12 =	sadd.s32 $0x1, s12  }
0x1d7: {  	p0 =	sne.s32 s12, s28  }
.Ltmp3:
0x1d8: {  	_ = 	snop;
	(pc) =	sbr.rel @p0 .LBB2_1-.Ltmp3, $3  }
0x1d9: {  	_ =	sdelay $0x1  }
0x1da: {  	[sflag:s11] =	ssyncset.done $0x0  }
0x1db: {  	[sflag:s11] =	ssyncadd.s32 $0xFFFFFB00  }
0x1dc: {  	_ =	sfence.sel $0x180000  }
0x1dd: {  	[bflag:$0x0] =	sbarrier.arrive $0xFFFF  }
0x1de: {  	_ =	strace $0x90000047  }
0x1df: {  	s0 =	stileid.u32;
	[bflag:$0x2] =	sbarrier.arrive $0xFFFF  }
0x1e0: {  	p0 =	sne.s32 s0, $0x0;
	s0 =	rddreg [dreg:$0x1]  }
0x1e1: {  	s0 =	sadd.s32 @!p0 $0x100000, s0  }
0x1e2: {  	[sflag:s0] =	ssyncadd.tile.s32 @!p0 $0x1;
	_ =	shalt  }
.Lfunc_end2:
_tile_overlayer_lowered:
.L_overlay_start_2:
0x1e3: {  	(tag) =	ssettag $0x2  }
0x1e4: {  	s0 =	rddreg [dreg:$0x0];
	s2 =	stileid.u32  }
0x1e5: {  	s1 =	rddreg [dreg:$0x1];
	p0 =	sne.s32 s2, $0x0  }
0x1e6: {  	s3 =	rddreg [dreg:$0x2];
	[bflag:$0x3] =	sbarrier.arrive $0xFFFF;
	s2 =	simm.s32 @!p0 $0x1C07  }
0x1e7: {  	[timem:s3], [sflag:s2] =	dma.local @!p0 [hbm:s0], s1  }
0x1e8: {  	s0 =	simm.s32 @!p0 $0x7  }
0x1e9: {  	_ =	swait.ge @!p0 [sflag:s0], s1  }
0x1ea: {  	s1 =	ssub.s32 @!p0 $0x0, s1;
	[sflag:s0] =	ssyncset.done @!p0 $0x0  }
0x1eb: {  	[sflag:s0] =	ssyncadd.s32 @!p0 s1  }
0x1ec: {  	[bflag:$0x3] =	sbarrier.arrive $0xFFFF  }
0x1ed: {  	_ =	shalt  }

</sc_bundles>
